<compile_context>
chip_gen: v7x
topology: tpu7x:2x2x1
jax: 0.10.2.dev20260603
libtpu: 0.0.44.dev20260713+nightly
codegen_flags: <defaults>
</compile_context>

<pallas_src>
import functools

import jax
import jax.numpy as jnp
from jax import lax
from jax.experimental import pallas as pl
from jax.experimental.pallas import tpu as pltpu
from jax.experimental.pallas import tpu_sc as plsc

N = 10000
E = 320000
D = 128

NC = 2
NS = 16
NW = NC * NS
EPW = E // NW
CH = 80
NCHUNK = EPW // CH
RPT = N // NS
ZR = 125

BN = 1000
NB = N // BN


def _sc_agg():
    mesh = plsc.VectorSubcoreMesh(core_axis_name="c", subcore_axis_name="s")

    @functools.partial(
        pl.kernel,
        out_type=jax.ShapeDtypeStruct((NC, NS, RPT, D), jnp.float32),
        mesh=mesh,
        scratch_types=[
            pltpu.VMEM((CH,), jnp.int32),
            pltpu.VMEM((CH,), jnp.int32),
            pltpu.VMEM((CH, D), jnp.float32),
            pltpu.VMEM((ZR, D), jnp.float32),
            pltpu.VMEM_SHARED((N, D), jnp.float32),
            pltpu.SemaphoreType.DMA,
        ],
    )
    def agg(h_hbm, src_hbm, dst_hbm, zeros_hbm, out_hbm,
            src_v, dst_v, rows_v, zb_v, acc_sh, sem):
        cid = lax.axis_index("c")
        sid = lax.axis_index("s")
        wid = sid * NC + cid

        pltpu.sync_copy(zeros_hbm, zb_v)
        for k in range(RPT // ZR):
            pltpu.sync_copy(zb_v, acc_sh.at[pl.ds(sid * RPT + k * ZR, ZR)])
        plsc.subcore_barrier()

        base = wid * EPW

        def body(i, carry):
            off = base + i * CH
            pltpu.sync_copy(src_hbm.at[pl.ds(off, CH)], src_v)
            pltpu.sync_copy(dst_hbm.at[pl.ds(off, CH)], dst_v)
            pltpu.async_copy(h_hbm.at[src_v], rows_v, sem).wait()
            pltpu.sync_copy(rows_v, acc_sh.at[dst_v], add=True)
            return carry

        lax.fori_loop(0, NCHUNK, body, 0)
        plsc.subcore_barrier()

        pltpu.sync_copy(acc_sh.at[pl.ds(sid * RPT, RPT)], out_hbm.at[cid, sid])

    return agg


_AGG = _sc_agg()


def _mlp_body(eps_ref, x_ref, p0_ref, p1_ref, w1_ref, b1_ref, w2_ref, b2_ref,
              o_ref):
    u = (1.0 + eps_ref[0, 0]) * x_ref[...] + p0_ref[...] + p1_ref[...]
    h1 = jnp.dot(u, w1_ref[...], preferred_element_type=jnp.float32)
    h1 = jnp.maximum(h1 + b1_ref[...], 0.0)
    h2 = jnp.dot(h1, w2_ref[...], preferred_element_type=jnp.float32)
    o_ref[...] = jnp.maximum(h2 + b2_ref[...], 0.0)


def _final_body(eps_ref, bf2_ref, x_ref, p0_ref, p1_ref, w1_ref, b1_ref,
                w2_ref, b2_ref, wf1_ref, bf1_ref, wf2_ref, o_ref):
    u = (1.0 + eps_ref[0, 0]) * x_ref[...] + p0_ref[...] + p1_ref[...]
    h1 = jnp.dot(u, w1_ref[...], preferred_element_type=jnp.float32)
    h1 = jnp.maximum(h1 + b1_ref[...], 0.0)
    h2 = jnp.dot(h1, w2_ref[...], preferred_element_type=jnp.float32)
    h2 = jnp.maximum(h2 + b2_ref[...], 0.0)
    h3 = jnp.dot(h2, wf1_ref[...], preferred_element_type=jnp.float32)
    h3 = jnp.maximum(h3 + bf1_ref[...], 0.0)
    s = jnp.sum(h3 * wf2_ref[...], axis=1, keepdims=True) + bf2_ref[0, 0]
    o_ref[...] = 1.0 / (1.0 + jnp.exp(-s))


_ROWS = pl.BlockSpec((BN, D), lambda i: (i, 0))
_P0 = pl.BlockSpec((BN, D), lambda i: (i, 0))
_P1 = pl.BlockSpec((BN, D), lambda i: (i + NB, 0))
_WMAT = pl.BlockSpec((D, D), lambda i: (0, 0))
_BVEC = pl.BlockSpec((1, D), lambda i: (0, 0))
_SCALAR = pl.BlockSpec(memory_space=pltpu.SMEM)

_mlp_call = pl.pallas_call(
    _mlp_body,
    grid=(NB,),
    in_specs=[_SCALAR, _ROWS, _P0, _P1, _WMAT, _BVEC, _WMAT, _BVEC],
    out_specs=_ROWS,
    out_shape=jax.ShapeDtypeStruct((N, D), jnp.float32),
)

_final_call = pl.pallas_call(
    _final_body,
    grid=(NB,),
    in_specs=[_SCALAR, _SCALAR, _ROWS, _P0, _P1, _WMAT, _BVEC, _WMAT, _BVEC,
              pl.BlockSpec((D, D // 2), lambda i: (0, 0)),
              pl.BlockSpec((1, D // 2), lambda i: (0, 0)),
              pl.BlockSpec((1, D // 2), lambda i: (0, 0))],
    out_specs=pl.BlockSpec((BN, 1), lambda i: (i, 0)),
    out_shape=jax.ShapeDtypeStruct((N, 1), jnp.float32),
)


def kernel(x, edge_index, W1_0, b1_0, W2_0, b2_0, eps0, W1_1, b1_1, W2_1,
           b2_1, eps1, W1_2, b1_2, W2_2, b2_2, eps2, Wf1, bf1, Wf2, bf2):
    src = edge_index[0]
    dst = edge_index[1]
    zeros = jnp.zeros((ZR, D), jnp.float32)

    h = x
    for eps, W1, b1, W2, b2 in ((eps0, W1_0, b1_0, W2_0, b2_0),
                                (eps1, W1_1, b1_1, W2_1, b2_1)):
        pcat = _AGG(h, src, dst, zeros).reshape(NC * N, D)
        h = _mlp_call(eps.reshape(1, 1), h, pcat, pcat, W1,
                      b1.reshape(1, D), W2, b2.reshape(1, D))

    pcat = _AGG(h, src, dst, zeros).reshape(NC * N, D)
    return _final_call(eps2.reshape(1, 1), bf2.reshape(1, 1), h, pcat, pcat,
                       W1_2, b1_2.reshape(1, D), W2_2, b2_2.reshape(1, D),
                       Wf1, bf1.reshape(1, D // 2), Wf2.reshape(1, D // 2))

# --- scband reference (transcript-rebuilt; emitter-appended) ---
"""Pipeline reference for scband-ginnet-12360915878364 (READ-ONLY COPY).

The authoritative reference and input builder live on the scoring server;
editing this copy changes nothing except your own understanding.
"""

import jax, jax.numpy as jnp
import numpy as np

N, E, D = 10000, 320000, 128
HID = [128, 128]
OUT = 1

def _init_linear(key, fan_in, fan_out):
    k1, k2 = jax.random.split(key)
    lim = 1.0 / np.sqrt(fan_in)
    W = jax.random.uniform(k1, (fan_in, fan_out), minval=-lim, maxval=lim, dtype=jnp.float32)
    b = jax.random.uniform(k2, (fan_out,), minval=-lim, maxval=lim, dtype=jnp.float32)
    return W, b

def setup_inputs(seed: int = 0):
    key = jax.random.key(seed)
    ks = jax.random.split(key, 16)
    inp = {}
    inp["x"] = jax.random.normal(ks[0], (N, D), dtype=jnp.float32)
    inp["edge_index"] = jax.random.randint(ks[1], (2, E), 0, N, dtype=jnp.int32)
    dims = [(D, HID[0]), (HID[0], HID[1]), (HID[1], HID[1])]
    for i, (ic, oc) in enumerate(dims):
        W1, b1 = _init_linear(ks[2 + 2 * i], ic, oc)
        W2, b2 = _init_linear(ks[3 + 2 * i], oc, oc)
        inp[f"W1_{i}"] = W1
        inp[f"b1_{i}"] = b1
        inp[f"W2_{i}"] = W2
        inp[f"b2_{i}"] = b2
        inp[f"eps{i}"] = jnp.zeros((), dtype=jnp.float32)
    last = HID[-1]
    Wf1, bf1 = _init_linear(ks[10], last, last // 2)
    Wf2, bf2 = _init_linear(ks[11], last // 2, OUT)
    inp["Wf1"] = Wf1
    inp["bf1"] = bf1
    inp["Wf2"] = Wf2
    inp["bf2"] = bf2
    return inp

def _gin_conv(x, edge_index, eps, W1, b1, W2, b2):
    src = edge_index[0]
    dst = edge_index[1]
    agg = jnp.zeros_like(x).at[dst].add(x[src])
    h = (1.0 + eps) * x + agg
    h = jnp.maximum(h @ W1 + b1, 0.0)
    return h @ W2 + b2

def reference(x, edge_index, W1_0, b1_0, W2_0, b2_0, eps0, W1_1, b1_1, W2_1, b2_1, eps1, W1_2, b1_2, W2_2, b2_2, eps2, Wf1, bf1, Wf2, bf2):
    h = x
    params = [(eps0, W1_0, b1_0, W2_0, b2_0), (eps1, W1_1, b1_1, W2_1, b2_1), (eps2, W1_2, b1_2, W2_2, b2_2)]
    for eps, W1, b1, W2, b2 in params:
        h = _gin_conv(h, edge_index, eps, W1, b1, W2, b2)
        h = jnp.maximum(h, 0.0)
    h = jnp.maximum(h @ Wf1 + bf1, 0.0)
    h = h @ Wf2 + bf2
    return jax.nn.sigmoid(h)

if __name__ == "__main__":
    import jax
    _d = setup_inputs()
    print(jax.jit(kernel)(*tuple(_d.values())))

</pallas_src>

<mosaic_0001>
#map = affine_map<(d0, d1) -> (0, 0)>
#map1 = affine_map<(d0, d1) -> (0)>
#map2 = affine_map<(d0, d1) -> (0, 0, 0, 0)>
module attributes {stable_mosaic.version = 14 : i64} {
  func.func @agg(%arg0: i32, %arg1: i32, %arg2: memref<10000x128xf32, #tpu.memory_space<hbm>>, %arg3: memref<320000xi32, #tpu.memory_space<hbm>>, %arg4: memref<320000xi32, #tpu.memory_space<hbm>>, %arg5: memref<125x128xf32, #tpu.memory_space<hbm>>, %arg6: memref<2x16x625x128xf32, #tpu.memory_space<hbm>>, %arg7: memref<80xi32, #tpu.memory_space<vmem>>, %arg8: memref<80xi32, #tpu.memory_space<vmem>>, %arg9: memref<80x128xf32, #tpu.memory_space<vmem>>, %arg10: memref<125x128xf32, #tpu.memory_space<vmem>>, %arg11: memref<10000x128xf32, #tpu.memory_space<vmem_shared>>, %arg12: memref<!tpu.dma_semaphore, #tpu.memory_space<semaphore_mem>>) attributes {dimension_semantics = [#tpu.dimension_semantics<core_parallel>, #tpu.dimension_semantics<subcore_parallel>], iteration_bounds = array<i64: 2, 16>, scalar_prefetch = 0 : i64, scratch_operands = 6 : i64, tpu.core_type = #tpu.core_type<sc_vector_subcore>, window_params = [{transform_indices = #map}, {transform_indices = #map1}, {transform_indices = #map1}, {transform_indices = #map}, {transform_indices = #map2}]} {
    %mul3A = arith.constant 2 : i32
    %mul3A_0 = arith.muli %arg1, %mul3A : i32
    %add3A = arith.addi %mul3A_0, %arg0 : i32
    "tpu.region"() ({
      %run_scoped3A = tpu.sem_alloc : memref<!tpu.dma_semaphore, #tpu.memory_space<semaphore_mem>>
      tpu.enqueue_dma source(%arg5 : memref<125x128xf32, #tpu.memory_space<hbm>>) target(%arg10 : memref<125x128xf32, #tpu.memory_space<vmem>>) target_semaphore(%run_scoped3A : memref<!tpu.dma_semaphore, #tpu.memory_space<semaphore_mem>>)
      tpu.wait_dma2 semaphore(%run_scoped3A : memref<!tpu.dma_semaphore, #tpu.memory_space<semaphore_mem>>) src(%arg5 : memref<125x128xf32, #tpu.memory_space<hbm>>) dst(%arg10 : memref<125x128xf32, #tpu.memory_space<vmem>>)
      tpu.yield
    }) : () -> ()
    %mul3A_1 = arith.constant 625 : i32
    %mul3A_2 = arith.muli %arg1, %mul3A_1 : i32
    %add3A_3 = arith.constant 0 : i32
    %add3A_4 = arith.addi %mul3A_2, %add3A_3 : i32
    "tpu.region"() ({
      %run_scoped3A = tpu.sem_alloc : memref<!tpu.dma_semaphore, #tpu.memory_space<semaphore_mem>>
      %dma_start3A = arith.constant 0 : i32
      %dma_start3A_31 = tpu.memref_slice %arg11[%add3A_4, %dma_start3A] : memref<10000x128xf32, #tpu.memory_space<vmem_shared>> -> memref<125x128xf32, #tpu.memory_space<vmem_shared>>
      %dma_start3A_32 = arith.constant 0 : i32
      %dma_start3A_33 = tpu.memref_slice %arg11[%add3A_4, %dma_start3A_32] : memref<10000x128xf32, #tpu.memory_space<vmem_shared>> -> memref<125x128xf32, #tpu.memory_space<vmem_shared>>
      tpu.enqueue_dma source(%arg10 : memref<125x128xf32, #tpu.memory_space<vmem>>) target(%dma_start3A_33 : memref<125x128xf32, #tpu.memory_space<vmem_shared>>) target_semaphore(%run_scoped3A : memref<!tpu.dma_semaphore, #tpu.memory_space<semaphore_mem>>)
      %dma_wait3A = arith.constant 0 : i32
      %dma_wait3A_34 = tpu.memref_slice %arg11[%add3A_4, %dma_wait3A] : memref<10000x128xf32, #tpu.memory_space<vmem_shared>> -> memref<125x128xf32, #tpu.memory_space<vmem_shared>>
      %dma_wait3A_35 = arith.constant 0 : i32
      %dma_wait3A_36 = tpu.memref_slice %arg11[%add3A_4, %dma_wait3A_35] : memref<10000x128xf32, #tpu.memory_space<vmem_shared>> -> memref<125x128xf32, #tpu.memory_space<vmem_shared>>
      tpu.wait_dma2 semaphore(%run_scoped3A : memref<!tpu.dma_semaphore, #tpu.memory_space<semaphore_mem>>) src(%arg10 : memref<125x128xf32, #tpu.memory_space<vmem>>) dst(%dma_wait3A_36 : memref<125x128xf32, #tpu.memory_space<vmem_shared>>)
      tpu.yield
    }) : () -> ()
    %mul3A_5 = arith.constant 625 : i32
    %mul3A_6 = arith.muli %arg1, %mul3A_5 : i32
    %add3A_7 = arith.constant 125 : i32
    %add3A_8 = arith.addi %mul3A_6, %add3A_7 : i32
    "tpu.region"() ({
      %run_scoped3A = tpu.sem_alloc : memref<!tpu.dma_semaphore, #tpu.memory_space<semaphore_mem>>
      %dma_start3A = arith.constant 0 : i32
      %dma_start3A_31 = tpu.memref_slice %arg11[%add3A_8, %dma_start3A] : memref<10000x128xf32, #tpu.memory_space<vmem_shared>> -> memref<125x128xf32, #tpu.memory_space<vmem_shared>>
      %dma_start3A_32 = arith.constant 0 : i32
      %dma_start3A_33 = tpu.memref_slice %arg11[%add3A_8, %dma_start3A_32] : memref<10000x128xf32, #tpu.memory_space<vmem_shared>> -> memref<125x128xf32, #tpu.memory_space<vmem_shared>>
      tpu.enqueue_dma source(%arg10 : memref<125x128xf32, #tpu.memory_space<vmem>>) target(%dma_start3A_33 : memref<125x128xf32, #tpu.memory_space<vmem_shared>>) target_semaphore(%run_scoped3A : memref<!tpu.dma_semaphore, #tpu.memory_space<semaphore_mem>>)
      %dma_wait3A = arith.constant 0 : i32
      %dma_wait3A_34 = tpu.memref_slice %arg11[%add3A_8, %dma_wait3A] : memref<10000x128xf32, #tpu.memory_space<vmem_shared>> -> memref<125x128xf32, #tpu.memory_space<vmem_shared>>
      %dma_wait3A_35 = arith.constant 0 : i32
      %dma_wait3A_36 = tpu.memref_slice %arg11[%add3A_8, %dma_wait3A_35] : memref<10000x128xf32, #tpu.memory_space<vmem_shared>> -> memref<125x128xf32, #tpu.memory_space<vmem_shared>>
      tpu.wait_dma2 semaphore(%run_scoped3A : memref<!tpu.dma_semaphore, #tpu.memory_space<semaphore_mem>>) src(%arg10 : memref<125x128xf32, #tpu.memory_space<vmem>>) dst(%dma_wait3A_36 : memref<125x128xf32, #tpu.memory_space<vmem_shared>>)
      tpu.yield
    }) : () -> ()
    %mul3A_9 = arith.constant 625 : i32
    %mul3A_10 = arith.muli %arg1, %mul3A_9 : i32
    %add3A_11 = arith.constant 250 : i32
    %add3A_12 = arith.addi %mul3A_10, %add3A_11 : i32
    "tpu.region"() ({
      %run_scoped3A = tpu.sem_alloc : memref<!tpu.dma_semaphore, #tpu.memory_space<semaphore_mem>>
      %dma_start3A = arith.constant 0 : i32
      %dma_start3A_31 = tpu.memref_slice %arg11[%add3A_12, %dma_start3A] : memref<10000x128xf32, #tpu.memory_space<vmem_shared>> -> memref<125x128xf32, #tpu.memory_space<vmem_shared>>
      %dma_start3A_32 = arith.constant 0 : i32
      %dma_start3A_33 = tpu.memref_slice %arg11[%add3A_12, %dma_start3A_32] : memref<10000x128xf32, #tpu.memory_space<vmem_shared>> -> memref<125x128xf32, #tpu.memory_space<vmem_shared>>
      tpu.enqueue_dma source(%arg10 : memref<125x128xf32, #tpu.memory_space<vmem>>) target(%dma_start3A_33 : memref<125x128xf32, #tpu.memory_space<vmem_shared>>) target_semaphore(%run_scoped3A : memref<!tpu.dma_semaphore, #tpu.memory_space<semaphore_mem>>)
      %dma_wait3A = arith.constant 0 : i32
      %dma_wait3A_34 = tpu.memref_slice %arg11[%add3A_12, %dma_wait3A] : memref<10000x128xf32, #tpu.memory_space<vmem_shared>> -> memref<125x128xf32, #tpu.memory_space<vmem_shared>>
      %dma_wait3A_35 = arith.constant 0 : i32
      %dma_wait3A_36 = tpu.memref_slice %arg11[%add3A_12, %dma_wait3A_35] : memref<10000x128xf32, #tpu.memory_space<vmem_shared>> -> memref<125x128xf32, #tpu.memory_space<vmem_shared>>
      tpu.wait_dma2 semaphore(%run_scoped3A : memref<!tpu.dma_semaphore, #tpu.memory_space<semaphore_mem>>) src(%arg10 : memref<125x128xf32, #tpu.memory_space<vmem>>) dst(%dma_wait3A_36 : memref<125x128xf32, #tpu.memory_space<vmem_shared>>)
      tpu.yield
    }) : () -> ()
    %mul3A_13 = arith.constant 625 : i32
    %mul3A_14 = arith.muli %arg1, %mul3A_13 : i32
    %add3A_15 = arith.constant 375 : i32
    %add3A_16 = arith.addi %mul3A_14, %add3A_15 : i32
    "tpu.region"() ({
      %run_scoped3A = tpu.sem_alloc : memref<!tpu.dma_semaphore, #tpu.memory_space<semaphore_mem>>
      %dma_start3A = arith.constant 0 : i32
      %dma_start3A_31 = tpu.memref_slice %arg11[%add3A_16, %dma_start3A] : memref<10000x128xf32, #tpu.memory_space<vmem_shared>> -> memref<125x128xf32, #tpu.memory_space<vmem_shared>>
      %dma_start3A_32 = arith.constant 0 : i32
      %dma_start3A_33 = tpu.memref_slice %arg11[%add3A_16, %dma_start3A_32] : memref<10000x128xf32, #tpu.memory_space<vmem_shared>> -> memref<125x128xf32, #tpu.memory_space<vmem_shared>>
      tpu.enqueue_dma source(%arg10 : memref<125x128xf32, #tpu.memory_space<vmem>>) target(%dma_start3A_33 : memref<125x128xf32, #tpu.memory_space<vmem_shared>>) target_semaphore(%run_scoped3A : memref<!tpu.dma_semaphore, #tpu.memory_space<semaphore_mem>>)
      %dma_wait3A = arith.constant 0 : i32
      %dma_wait3A_34 = tpu.memref_slice %arg11[%add3A_16, %dma_wait3A] : memref<10000x128xf32, #tpu.memory_space<vmem_shared>> -> memref<125x128xf32, #tpu.memory_space<vmem_shared>>
      %dma_wait3A_35 = arith.constant 0 : i32
      %dma_wait3A_36 = tpu.memref_slice %arg11[%add3A_16, %dma_wait3A_35] : memref<10000x128xf32, #tpu.memory_space<vmem_shared>> -> memref<125x128xf32, #tpu.memory_space<vmem_shared>>
      tpu.wait_dma2 semaphore(%run_scoped3A : memref<!tpu.dma_semaphore, #tpu.memory_space<semaphore_mem>>) src(%arg10 : memref<125x128xf32, #tpu.memory_space<vmem>>) dst(%dma_wait3A_36 : memref<125x128xf32, #tpu.memory_space<vmem_shared>>)
      tpu.yield
    }) : () -> ()
    %mul3A_17 = arith.constant 625 : i32
    %mul3A_18 = arith.muli %arg1, %mul3A_17 : i32
    %add3A_19 = arith.constant 500 : i32
    %add3A_20 = arith.addi %mul3A_18, %add3A_19 : i32
    "tpu.region"() ({
      %run_scoped3A = tpu.sem_alloc : memref<!tpu.dma_semaphore, #tpu.memory_space<semaphore_mem>>
      %dma_start3A = arith.constant 0 : i32
      %dma_start3A_31 = tpu.memref_slice %arg11[%add3A_20, %dma_start3A] : memref<10000x128xf32, #tpu.memory_space<vmem_shared>> -> memref<125x128xf32, #tpu.memory_space<vmem_shared>>
      %dma_start3A_32 = arith.constant 0 : i32
      %dma_start3A_33 = tpu.memref_slice %arg11[%add3A_20, %dma_start3A_32] : memref<10000x128xf32, #tpu.memory_space<vmem_shared>> -> memref<125x128xf32, #tpu.memory_space<vmem_shared>>
      tpu.enqueue_dma source(%arg10 : memref<125x128xf32, #tpu.memory_space<vmem>>) target(%dma_start3A_33 : memref<125x128xf32, #tpu.memory_space<vmem_shared>>) target_semaphore(%run_scoped3A : memref<!tpu.dma_semaphore, #tpu.memory_space<semaphore_mem>>)
      %dma_wait3A = arith.constant 0 : i32
      %dma_wait3A_34 = tpu.memref_slice %arg11[%add3A_20, %dma_wait3A] : memref<10000x128xf32, #tpu.memory_space<vmem_shared>> -> memref<125x128xf32, #tpu.memory_space<vmem_shared>>
      %dma_wait3A_35 = arith.constant 0 : i32
      %dma_wait3A_36 = tpu.memref_slice %arg11[%add3A_20, %dma_wait3A_35] : memref<10000x128xf32, #tpu.memory_space<vmem_shared>> -> memref<125x128xf32, #tpu.memory_space<vmem_shared>>
      tpu.wait_dma2 semaphore(%run_scoped3A : memref<!tpu.dma_semaphore, #tpu.memory_space<semaphore_mem>>) src(%arg10 : memref<125x128xf32, #tpu.memory_space<vmem>>) dst(%dma_wait3A_36 : memref<125x128xf32, #tpu.memory_space<vmem_shared>>)
      tpu.yield
    }) : () -> ()
    %barrier3A = arith.constant 0 : index
    tpu.barrier barrier_id(%barrier3A)
    %mul3A_21 = arith.constant 10000 : i32
    %mul3A_22 = arith.muli %add3A, %mul3A_21 : i32
    %scan3A = arith.constant 0 : i32
    %scan3A_23 = arith.constant 0 : i32
    %scan3A_24 = arith.constant 125 : i32
    %scan3A_25 = arith.addi %scan3A_23, %scan3A_24 : i32
    %scan3A_26 = arith.constant 1 : i32
    scf.for %scan3A_31 = %scan3A_23 to %scan3A_25 step %scan3A_26  : i32 {
      %mul3A_32 = arith.constant 80 : i32
      %mul3A_33 = arith.muli %scan3A_31, %mul3A_32 : i32
      %add3A_34 = arith.addi %mul3A_22, %mul3A_33 : i32
      "tpu.region"() ({
        %run_scoped3A = tpu.sem_alloc : memref<!tpu.dma_semaphore, #tpu.memory_space<semaphore_mem>>
        %dma_start3A_39 = tpu.memref_slice %arg3[%add3A_34] : memref<320000xi32, #tpu.memory_space<hbm>> -> memref<80xi32, #tpu.memory_space<hbm>>
        %dma_start3A_40 = tpu.memref_slice %arg3[%add3A_34] : memref<320000xi32, #tpu.memory_space<hbm>> -> memref<80xi32, #tpu.memory_space<hbm>>
        tpu.enqueue_dma source(%dma_start3A_40 : memref<80xi32, #tpu.memory_space<hbm>>) target(%arg7 : memref<80xi32, #tpu.memory_space<vmem>>) target_semaphore(%run_scoped3A : memref<!tpu.dma_semaphore, #tpu.memory_space<semaphore_mem>>)
        %dma_wait3A_41 = tpu.memref_slice %arg3[%add3A_34] : memref<320000xi32, #tpu.memory_space<hbm>> -> memref<80xi32, #tpu.memory_space<hbm>>
        %dma_wait3A_42 = tpu.memref_slice %arg3[%add3A_34] : memref<320000xi32, #tpu.memory_space<hbm>> -> memref<80xi32, #tpu.memory_space<hbm>>
        tpu.wait_dma2 semaphore(%run_scoped3A : memref<!tpu.dma_semaphore, #tpu.memory_space<semaphore_mem>>) src(%dma_wait3A_42 : memref<80xi32, #tpu.memory_space<hbm>>) dst(%arg7 : memref<80xi32, #tpu.memory_space<vmem>>)
        tpu.yield
      }) : () -> ()
      "tpu.region"() ({
        %run_scoped3A = tpu.sem_alloc : memref<!tpu.dma_semaphore, #tpu.memory_space<semaphore_mem>>
        %dma_start3A_39 = tpu.memref_slice %arg4[%add3A_34] : memref<320000xi32, #tpu.memory_space<hbm>> -> memref<80xi32, #tpu.memory_space<hbm>>
        %dma_start3A_40 = tpu.memref_slice %arg4[%add3A_34] : memref<320000xi32, #tpu.memory_space<hbm>> -> memref<80xi32, #tpu.memory_space<hbm>>
        tpu.enqueue_dma source(%dma_start3A_40 : memref<80xi32, #tpu.memory_space<hbm>>) target(%arg8 : memref<80xi32, #tpu.memory_space<vmem>>) target_semaphore(%run_scoped3A : memref<!tpu.dma_semaphore, #tpu.memory_space<semaphore_mem>>)
        %dma_wait3A_41 = tpu.memref_slice %arg4[%add3A_34] : memref<320000xi32, #tpu.memory_space<hbm>> -> memref<80xi32, #tpu.memory_space<hbm>>
        %dma_wait3A_42 = tpu.memref_slice %arg4[%add3A_34] : memref<320000xi32, #tpu.memory_space<hbm>> -> memref<80xi32, #tpu.memory_space<hbm>>
        tpu.wait_dma2 semaphore(%run_scoped3A : memref<!tpu.dma_semaphore, #tpu.memory_space<semaphore_mem>>) src(%dma_wait3A_42 : memref<80xi32, #tpu.memory_space<hbm>>) dst(%arg8 : memref<80xi32, #tpu.memory_space<vmem>>)
        tpu.yield
      }) : () -> ()
      %dma_start3A = arith.constant 0 : i32
      %dma_start3A_35 = arith.constant 0 : i32
      %dma_start3A_36 = tpu.memref_slice %arg2[%dma_start3A, %dma_start3A_35] : memref<10000x128xf32, #tpu.memory_space<hbm>> -> memref<10000x128xf32, #tpu.memory_space<hbm>>
      tpu.enqueue_indirect_dma source(%dma_start3A_36 : memref<10000x128xf32, #tpu.memory_space<hbm>>) target(%arg9 : memref<80x128xf32, #tpu.memory_space<vmem>>) offsets(%arg7 : memref<80xi32, #tpu.memory_space<vmem>>) semaphore(%arg12 : memref<!tpu.dma_semaphore, #tpu.memory_space<semaphore_mem>>)
      %dma_wait3A = arith.constant 0 : i32
      %dma_wait3A_37 = arith.constant 0 : i32
      %dma_wait3A_38 = tpu.memref_slice %arg2[%dma_wait3A, %dma_wait3A_37] : memref<10000x128xf32, #tpu.memory_space<hbm>> -> memref<10000x128xf32, #tpu.memory_space<hbm>>
      tpu.wait_indirect_dma semaphore(%arg12 : memref<!tpu.dma_semaphore, #tpu.memory_space<semaphore_mem>>) src(%dma_wait3A_38 : memref<10000x128xf32, #tpu.memory_space<hbm>>) dst(%arg9 : memref<80x128xf32, #tpu.memory_space<vmem>>)
      "tpu.region"() ({
        %run_scoped3A = tpu.sem_alloc : memref<!tpu.dma_semaphore, #tpu.memory_space<semaphore_mem>>
        %dma_start3A_39 = arith.constant 0 : i32
        %dma_start3A_40 = arith.constant 0 : i32
        %dma_start3A_41 = tpu.memref_slice %arg11[%dma_start3A_39, %dma_start3A_40] : memref<10000x128xf32, #tpu.memory_space<vmem_shared>> -> memref<10000x128xf32, #tpu.memory_space<vmem_shared>>
        tpu.enqueue_indirect_dma source(%arg9 : memref<80x128xf32, #tpu.memory_space<vmem>>) target(%dma_start3A_41 : memref<10000x128xf32, #tpu.memory_space<vmem_shared>>) offsets(%arg8 : memref<80xi32, #tpu.memory_space<vmem>>) semaphore(%run_scoped3A : memref<!tpu.dma_semaphore, #tpu.memory_space<semaphore_mem>>) {add = true}
        %dma_wait3A_42 = arith.constant 0 : i32
        %dma_wait3A_43 = arith.constant 0 : i32
        %dma_wait3A_44 = tpu.memref_slice %arg11[%dma_wait3A_42, %dma_wait3A_43] : memref<10000x128xf32, #tpu.memory_space<vmem_shared>> -> memref<10000x128xf32, #tpu.memory_space<vmem_shared>>
        tpu.wait_indirect_dma semaphore(%run_scoped3A : memref<!tpu.dma_semaphore, #tpu.memory_space<semaphore_mem>>) src(%arg9 : memref<80x128xf32, #tpu.memory_space<vmem>>) dst(%dma_wait3A_44 : memref<10000x128xf32, #tpu.memory_space<vmem_shared>>)
        tpu.yield
      }) : () -> ()
    }
    %scan3A_27 = arith.constant 125 : i32
    %barrier3A_28 = arith.constant 0 : index
    tpu.barrier barrier_id(%barrier3A_28)
    %mul3A_29 = arith.constant 625 : i32
    %mul3A_30 = arith.muli %arg1, %mul3A_29 : i32
    "tpu.region"() ({
      %run_scoped3A = tpu.sem_alloc : memref<!tpu.dma_semaphore, #tpu.memory_space<semaphore_mem>>
      %dma_start3A = arith.constant 0 : i32
      %dma_start3A_31 = arith.constant 0 : i32
      %dma_start3A_32 = tpu.memref_slice %arg6[%arg0, %arg1, %dma_start3A, %dma_start3A_31] : memref<2x16x625x128xf32, #tpu.memory_space<hbm>> -> memref<1x1x625x128xf32, #tpu.memory_space<hbm>>
      %dma_start3A_33 = tpu.memref_squeeze %dma_start3A_32 : memref<1x1x625x128xf32, #tpu.memory_space<hbm>> -> memref<625x128xf32, #tpu.memory_space<hbm>>
      %dma_start3A_34 = arith.constant 0 : i32
      %dma_start3A_35 = tpu.memref_slice %arg11[%mul3A_30, %dma_start3A_34] : memref<10000x128xf32, #tpu.memory_space<vmem_shared>> -> memref<625x128xf32, #tpu.memory_space<vmem_shared>>
      tpu.enqueue_dma source(%dma_start3A_35 : memref<625x128xf32, #tpu.memory_space<vmem_shared>>) target(%dma_start3A_33 : memref<625x128xf32, #tpu.memory_space<hbm>>) target_semaphore(%run_scoped3A : memref<!tpu.dma_semaphore, #tpu.memory_space<semaphore_mem>>)
      %dma_wait3A = arith.constant 0 : i32
      %dma_wait3A_36 = arith.constant 0 : i32
      %dma_wait3A_37 = tpu.memref_slice %arg6[%arg0, %arg1, %dma_wait3A, %dma_wait3A_36] : memref<2x16x625x128xf32, #tpu.memory_space<hbm>> -> memref<1x1x625x128xf32, #tpu.memory_space<hbm>>
      %dma_wait3A_38 = tpu.memref_squeeze %dma_wait3A_37 : memref<1x1x625x128xf32, #tpu.memory_space<hbm>> -> memref<625x128xf32, #tpu.memory_space<hbm>>
      %dma_wait3A_39 = arith.constant 0 : i32
      %dma_wait3A_40 = tpu.memref_slice %arg11[%mul3A_30, %dma_wait3A_39] : memref<10000x128xf32, #tpu.memory_space<vmem_shared>> -> memref<625x128xf32, #tpu.memory_space<vmem_shared>>
      tpu.wait_dma2 semaphore(%run_scoped3A : memref<!tpu.dma_semaphore, #tpu.memory_space<semaphore_mem>>) src(%dma_wait3A_40 : memref<625x128xf32, #tpu.memory_space<vmem_shared>>) dst(%dma_wait3A_38 : memref<625x128xf32, #tpu.memory_space<hbm>>)
      tpu.yield
    }) : () -> ()
    return
  }
}

#map = affine_map<(d0, d1) -> (0, 0)>
#map1 = affine_map<(d0, d1) -> (0)>
#map2 = affine_map<(d0, d1) -> (0, 0, 0, 0)>
module attributes {stable_mosaic.version = 14 : i64} {
  func.func @agg(%arg0: i32, %arg1: i32, %arg2: memref<10000x128xf32, #tpu.memory_space<hbm>>, %arg3: memref<320000xi32, #tpu.memory_space<hbm>>, %arg4: memref<320000xi32, #tpu.memory_space<hbm>>, %arg5: memref<125x128xf32, #tpu.memory_space<hbm>>, %arg6: memref<2x16x625x128xf32, #tpu.memory_space<hbm>>, %arg7: memref<80xi32, #tpu.memory_space<vmem>>, %arg8: memref<80xi32, #tpu.memory_space<vmem>>, %arg9: memref<80x128xf32, #tpu.memory_space<vmem>>, %arg10: memref<125x128xf32, #tpu.memory_space<vmem>>, %arg11: memref<10000x128xf32, #tpu.memory_space<vmem_shared>>, %arg12: memref<!tpu.dma_semaphore, #tpu.memory_space<semaphore_mem>>) attributes {dimension_semantics = [#tpu.dimension_semantics<core_parallel>, #tpu.dimension_semantics<subcore_parallel>], iteration_bounds = array<i64: 2, 16>, scalar_prefetch = 0 : i64, scratch_operands = 6 : i64, tpu.core_type = #tpu.core_type<sc_vector_subcore>, window_params = [{transform_indices = #map}, {transform_indices = #map1}, {transform_indices = #map1}, {transform_indices = #map}, {transform_indices = #map2}]} {
    %mul3A = arith.constant 2 : i32
    %mul3A_0 = arith.muli %arg1, %mul3A : i32
    %add3A = arith.addi %mul3A_0, %arg0 : i32
    "tpu.region"() ({
      %run_scoped3A = tpu.sem_alloc : memref<!tpu.dma_semaphore, #tpu.memory_space<semaphore_mem>>
      tpu.enqueue_dma source(%arg5 : memref<125x128xf32, #tpu.memory_space<hbm>>) target(%arg10 : memref<125x128xf32, #tpu.memory_space<vmem>>) target_semaphore(%run_scoped3A : memref<!tpu.dma_semaphore, #tpu.memory_space<semaphore_mem>>)
      tpu.wait_dma2 semaphore(%run_scoped3A : memref<!tpu.dma_semaphore, #tpu.memory_space<semaphore_mem>>) src(%arg5 : memref<125x128xf32, #tpu.memory_space<hbm>>) dst(%arg10 : memref<125x128xf32, #tpu.memory_space<vmem>>)
      tpu.yield
    }) : () -> ()
    %mul3A_1 = arith.constant 625 : i32
    %mul3A_2 = arith.muli %arg1, %mul3A_1 : i32
    %add3A_3 = arith.constant 0 : i32
    %add3A_4 = arith.addi %mul3A_2, %add3A_3 : i32
    "tpu.region"() ({
      %run_scoped3A = tpu.sem_alloc : memref<!tpu.dma_semaphore, #tpu.memory_space<semaphore_mem>>
      %dma_start3A = arith.constant 0 : i32
      %dma_start3A_31 = tpu.memref_slice %arg11[%add3A_4, %dma_start3A] : memref<10000x128xf32, #tpu.memory_space<vmem_shared>> -> memref<125x128xf32, #tpu.memory_space<vmem_shared>>
      %dma_start3A_32 = arith.constant 0 : i32
      %dma_start3A_33 = tpu.memref_slice %arg11[%add3A_4, %dma_start3A_32] : memref<10000x128xf32, #tpu.memory_space<vmem_shared>> -> memref<125x128xf32, #tpu.memory_space<vmem_shared>>
      tpu.enqueue_dma source(%arg10 : memref<125x128xf32, #tpu.memory_space<vmem>>) target(%dma_start3A_33 : memref<125x128xf32, #tpu.memory_space<vmem_shared>>) target_semaphore(%run_scoped3A : memref<!tpu.dma_semaphore, #tpu.memory_space<semaphore_mem>>)
      %dma_wait3A = arith.constant 0 : i32
      %dma_wait3A_34 = tpu.memref_slice %arg11[%add3A_4, %dma_wait3A] : memref<10000x128xf32, #tpu.memory_space<vmem_shared>> -> memref<125x128xf32, #tpu.memory_space<vmem_shared>>
      %dma_wait3A_35 = arith.constant 0 : i32
      %dma_wait3A_36 = tpu.memref_slice %arg11[%add3A_4, %dma_wait3A_35] : memref<10000x128xf32, #tpu.memory_space<vmem_shared>> -> memref<125x128xf32, #tpu.memory_space<vmem_shared>>
      tpu.wait_dma2 semaphore(%run_scoped3A : memref<!tpu.dma_semaphore, #tpu.memory_space<semaphore_mem>>) src(%arg10 : memref<125x128xf32, #tpu.memory_space<vmem>>) dst(%dma_wait3A_36 : memref<125x128xf32, #tpu.memory_space<vmem_shared>>)
      tpu.yield
    }) : () -> ()
    %mul3A_5 = arith.constant 625 : i32
    %mul3A_6 = arith.muli %arg1, %mul3A_5 : i32
    %add3A_7 = arith.constant 125 : i32
    %add3A_8 = arith.addi %mul3A_6, %add3A_7 : i32
    "tpu.region"() ({
      %run_scoped3A = tpu.sem_alloc : memref<!tpu.dma_semaphore, #tpu.memory_space<semaphore_mem>>
      %dma_start3A = arith.constant 0 : i32
      %dma_start3A_31 = tpu.memref_slice %arg11[%add3A_8, %dma_start3A] : memref<10000x128xf32, #tpu.memory_space<vmem_shared>> -> memref<125x128xf32, #tpu.memory_space<vmem_shared>>
      %dma_start3A_32 = arith.constant 0 : i32
      %dma_start3A_33 = tpu.memref_slice %arg11[%add3A_8, %dma_start3A_32] : memref<10000x128xf32, #tpu.memory_space<vmem_shared>> -> memref<125x128xf32, #tpu.memory_space<vmem_shared>>
      tpu.enqueue_dma source(%arg10 : memref<125x128xf32, #tpu.memory_space<vmem>>) target(%dma_start3A_33 : memref<125x128xf32, #tpu.memory_space<vmem_shared>>) target_semaphore(%run_scoped3A : memref<!tpu.dma_semaphore, #tpu.memory_space<semaphore_mem>>)
      %dma_wait3A = arith.constant 0 : i32
      %dma_wait3A_34 = tpu.memref_slice %arg11[%add3A_8, %dma_wait3A] : memref<10000x128xf32, #tpu.memory_space<vmem_shared>> -> memref<125x128xf32, #tpu.memory_space<vmem_shared>>
      %dma_wait3A_35 = arith.constant 0 : i32
      %dma_wait3A_36 = tpu.memref_slice %arg11[%add3A_8, %dma_wait3A_35] : memref<10000x128xf32, #tpu.memory_space<vmem_shared>> -> memref<125x128xf32, #tpu.memory_space<vmem_shared>>
      tpu.wait_dma2 semaphore(%run_scoped3A : memref<!tpu.dma_semaphore, #tpu.memory_space<semaphore_mem>>) src(%arg10 : memref<125x128xf32, #tpu.memory_space<vmem>>) dst(%dma_wait3A_36 : memref<125x128xf32, #tpu.memory_space<vmem_shared>>)
      tpu.yield
    }) : () -> ()
    %mul3A_9 = arith.constant 625 : i32
    %mul3A_10 = arith.muli %arg1, %mul3A_9 : i32
    %add3A_11 = arith.constant 250 : i32
    %add3A_12 = arith.addi %mul3A_10, %add3A_11 : i32
    "tpu.region"() ({
      %run_scoped3A = tpu.sem_alloc : memref<!tpu.dma_semaphore, #tpu.memory_space<semaphore_mem>>
      %dma_start3A = arith.constant 0 : i32
      %dma_start3A_31 = tpu.memref_slice %arg11[%add3A_12, %dma_start3A] : memref<10000x128xf32, #tpu.memory_space<vmem_shared>> -> memref<125x128xf32, #tpu.memory_space<vmem_shared>>
      %dma_start3A_32 = arith.constant 0 : i32
      %dma_start3A_33 = tpu.memref_slice %arg11[%add3A_12, %dma_start3A_32] : memref<10000x128xf32, #tpu.memory_space<vmem_shared>> -> memref<125x128xf32, #tpu.memory_space<vmem_shared>>
      tpu.enqueue_dma source(%arg10 : memref<125x128xf32, #tpu.memory_space<vmem>>) target(%dma_start3A_33 : memref<125x128xf32, #tpu.memory_space<vmem_shared>>) target_semaphore(%run_scoped3A : memref<!tpu.dma_semaphore, #tpu.memory_space<semaphore_mem>>)
      %dma_wait3A = arith.constant 0 : i32
      %dma_wait3A_34 = tpu.memref_slice %arg11[%add3A_12, %dma_wait3A] : memref<10000x128xf32, #tpu.memory_space<vmem_shared>> -> memref<125x128xf32, #tpu.memory_space<vmem_shared>>
      %dma_wait3A_35 = arith.constant 0 : i32
      %dma_wait3A_36 = tpu.memref_slice %arg11[%add3A_12, %dma_wait3A_35] : memref<10000x128xf32, #tpu.memory_space<vmem_shared>> -> memref<125x128xf32, #tpu.memory_space<vmem_shared>>
      tpu.wait_dma2 semaphore(%run_scoped3A : memref<!tpu.dma_semaphore, #tpu.memory_space<semaphore_mem>>) src(%arg10 : memref<125x128xf32, #tpu.memory_space<vmem>>) dst(%dma_wait3A_36 : memref<125x128xf32, #tpu.memory_space<vmem_shared>>)
      tpu.yield
    }) : () -> ()
    %mul3A_13 = arith.constant 625 : i32
    %mul3A_14 = arith.muli %arg1, %mul3A_13 : i32
    %add3A_15 = arith.constant 375 : i32
    %add3A_16 = arith.addi %mul3A_14, %add3A_15 : i32
    "tpu.region"() ({
      %run_scoped3A = tpu.sem_alloc : memref<!tpu.dma_semaphore, #tpu.memory_space<semaphore_mem>>
      %dma_start3A = arith.constant 0 : i32
      %dma_start3A_31 = tpu.memref_slice %arg11[%add3A_16, %dma_start3A] : memref<10000x128xf32, #tpu.memory_space<vmem_shared>> -> memref<125x128xf32, #tpu.memory_space<vmem_shared>>
      %dma_start3A_32 = arith.constant 0 : i32
      %dma_start3A_33 = tpu.memref_slice %arg11[%add3A_16, %dma_start3A_32] : memref<10000x128xf32, #tpu.memory_space<vmem_shared>> -> memref<125x128xf32, #tpu.memory_space<vmem_shared>>
      tpu.enqueue_dma source(%arg10 : memref<125x128xf32, #tpu.memory_space<vmem>>) target(%dma_start3A_33 : memref<125x128xf32, #tpu.memory_space<vmem_shared>>) target_semaphore(%run_scoped3A : memref<!tpu.dma_semaphore, #tpu.memory_space<semaphore_mem>>)
      %dma_wait3A = arith.constant 0 : i32
      %dma_wait3A_34 = tpu.memref_slice %arg11[%add3A_16, %dma_wait3A] : memref<10000x128xf32, #tpu.memory_space<vmem_shared>> -> memref<125x128xf32, #tpu.memory_space<vmem_shared>>
      %dma_wait3A_35 = arith.constant 0 : i32
      %dma_wait3A_36 = tpu.memref_slice %arg11[%add3A_16, %dma_wait3A_35] : memref<10000x128xf32, #tpu.memory_space<vmem_shared>> -> memref<125x128xf32, #tpu.memory_space<vmem_shared>>
      tpu.wait_dma2 semaphore(%run_scoped3A : memref<!tpu.dma_semaphore, #tpu.memory_space<semaphore_mem>>) src(%arg10 : memref<125x128xf32, #tpu.memory_space<vmem>>) dst(%dma_wait3A_36 : memref<125x128xf32, #tpu.memory_space<vmem_shared>>)
      tpu.yield
    }) : () -> ()
    %mul3A_17 = arith.constant 625 : i32
    %mul3A_18 = arith.muli %arg1, %mul3A_17 : i32
    %add3A_19 = arith.constant 500 : i32
    %add3A_20 = arith.addi %mul3A_18, %add3A_19 : i32
    "tpu.region"() ({
      %run_scoped3A = tpu.sem_alloc : memref<!tpu.dma_semaphore, #tpu.memory_space<semaphore_mem>>
      %dma_start3A = arith.constant 0 : i32
      %dma_start3A_31 = tpu.memref_slice %arg11[%add3A_20, %dma_start3A] : memref<10000x128xf32, #tpu.memory_space<vmem_shared>> -> memref<125x128xf32, #tpu.memory_space<vmem_shared>>
      %dma_start3A_32 = arith.constant 0 : i32
      %dma_start3A_33 = tpu.memref_slice %arg11[%add3A_20, %dma_start3A_32] : memref<10000x128xf32, #tpu.memory_space<vmem_shared>> -> memref<125x128xf32, #tpu.memory_space<vmem_shared>>
      tpu.enqueue_dma source(%arg10 : memref<125x128xf32, #tpu.memory_space<vmem>>) target(%dma_start3A_33 : memref<125x128xf32, #tpu.memory_space<vmem_shared>>) target_semaphore(%run_scoped3A : memref<!tpu.dma_semaphore, #tpu.memory_space<semaphore_mem>>)
      %dma_wait3A = arith.constant 0 : i32
      %dma_wait3A_34 = tpu.memref_slice %arg11[%add3A_20, %dma_wait3A] : memref<10000x128xf32, #tpu.memory_space<vmem_shared>> -> memref<125x128xf32, #tpu.memory_space<vmem_shared>>
      %dma_wait3A_35 = arith.constant 0 : i32
      %dma_wait3A_36 = tpu.memref_slice %arg11[%add3A_20, %dma_wait3A_35] : memref<10000x128xf32, #tpu.memory_space<vmem_shared>> -> memref<125x128xf32, #tpu.memory_space<vmem_shared>>
      tpu.wait_dma2 semaphore(%run_scoped3A : memref<!tpu.dma_semaphore, #tpu.memory_space<semaphore_mem>>) src(%arg10 : memref<125x128xf32, #tpu.memory_space<vmem>>) dst(%dma_wait3A_36 : memref<125x128xf32, #tpu.memory_space<vmem_shared>>)
      tpu.yield
    }) : () -> ()
    %barrier3A = arith.constant 0 : index
    tpu.barrier barrier_id(%barrier3A)
    %mul3A_21 = arith.constant 10000 : i32
    %mul3A_22 = arith.muli %add3A, %mul3A_21 : i32
    %scan3A = arith.constant 0 : i32
    %scan3A_23 = arith.constant 0 : i32
    %scan3A_24 = arith.constant 125 : i32
    %scan3A_25 = arith.addi %scan3A_23, %scan3A_24 : i32
    %scan3A_26 = arith.constant 1 : i32
    scf.for %scan3A_31 = %scan3A_23 to %scan3A_25 step %scan3A_26  : i32 {
      %mul3A_32 = arith.constant 80 : i32
      %mul3A_33 = arith.muli %scan3A_31, %mul3A_32 : i32
      %add3A_34 = arith.addi %mul3A_22, %mul3A_33 : i32
      "tpu.region"() ({
        %run_scoped3A = tpu.sem_alloc : memref<!tpu.dma_semaphore, #tpu.memory_space<semaphore_mem>>
        %dma_start3A_39 = tpu.memref_slice %arg3[%add3A_34] : memref<320000xi32, #tpu.memory_space<hbm>> -> memref<80xi32, #tpu.memory_space<hbm>>
        %dma_start3A_40 = tpu.memref_slice %arg3[%add3A_34] : memref<320000xi32, #tpu.memory_space<hbm>> -> memref<80xi32, #tpu.memory_space<hbm>>
        tpu.enqueue_dma source(%dma_start3A_40 : memref<80xi32, #tpu.memory_space<hbm>>) target(%arg7 : memref<80xi32, #tpu.memory_space<vmem>>) target_semaphore(%run_scoped3A : memref<!tpu.dma_semaphore, #tpu.memory_space<semaphore_mem>>)
        %dma_wait3A_41 = tpu.memref_slice %arg3[%add3A_34] : memref<320000xi32, #tpu.memory_space<hbm>> -> memref<80xi32, #tpu.memory_space<hbm>>
        %dma_wait3A_42 = tpu.memref_slice %arg3[%add3A_34] : memref<320000xi32, #tpu.memory_space<hbm>> -> memref<80xi32, #tpu.memory_space<hbm>>
        tpu.wait_dma2 semaphore(%run_scoped3A : memref<!tpu.dma_semaphore, #tpu.memory_space<semaphore_mem>>) src(%dma_wait3A_42 : memref<80xi32, #tpu.memory_space<hbm>>) dst(%arg7 : memref<80xi32, #tpu.memory_space<vmem>>)
        tpu.yield
      }) : () -> ()
      "tpu.region"() ({
        %run_scoped3A = tpu.sem_alloc : memref<!tpu.dma_semaphore, #tpu.memory_space<semaphore_mem>>
        %dma_start3A_39 = tpu.memref_slice %arg4[%add3A_34] : memref<320000xi32, #tpu.memory_space<hbm>> -> memref<80xi32, #tpu.memory_space<hbm>>
        %dma_start3A_40 = tpu.memref_slice %arg4[%add3A_34] : memref<320000xi32, #tpu.memory_space<hbm>> -> memref<80xi32, #tpu.memory_space<hbm>>
        tpu.enqueue_dma source(%dma_start3A_40 : memref<80xi32, #tpu.memory_space<hbm>>) target(%arg8 : memref<80xi32, #tpu.memory_space<vmem>>) target_semaphore(%run_scoped3A : memref<!tpu.dma_semaphore, #tpu.memory_space<semaphore_mem>>)
        %dma_wait3A_41 = tpu.memref_slice %arg4[%add3A_34] : memref<320000xi32, #tpu.memory_space<hbm>> -> memref<80xi32, #tpu.memory_space<hbm>>
        %dma_wait3A_42 = tpu.memref_slice %arg4[%add3A_34] : memref<320000xi32, #tpu.memory_space<hbm>> -> memref<80xi32, #tpu.memory_space<hbm>>
        tpu.wait_dma2 semaphore(%run_scoped3A : memref<!tpu.dma_semaphore, #tpu.memory_space<semaphore_mem>>) src(%dma_wait3A_42 : memref<80xi32, #tpu.memory_space<hbm>>) dst(%arg8 : memref<80xi32, #tpu.memory_space<vmem>>)
        tpu.yield
      }) : () -> ()
      %dma_start3A = arith.constant 0 : i32
      %dma_start3A_35 = arith.constant 0 : i32
      %dma_start3A_36 = tpu.memref_slice %arg2[%dma_start3A, %dma_start3A_35] : memref<10000x128xf32, #tpu.memory_space<hbm>> -> memref<10000x128xf32, #tpu.memory_space<hbm>>
      tpu.enqueue_indirect_dma source(%dma_start3A_36 : memref<10000x128xf32, #tpu.memory_space<hbm>>) target(%arg9 : memref<80x128xf32, #tpu.memory_space<vmem>>) offsets(%arg7 : memref<80xi32, #tpu.memory_space<vmem>>) semaphore(%arg12 : memref<!tpu.dma_semaphore, #tpu.memory_space<semaphore_mem>>)
      %dma_wait3A = arith.constant 0 : i32
      %dma_wait3A_37 = arith.constant 0 : i32
      %dma_wait3A_38 = tpu.memref_slice %arg2[%dma_wait3A, %dma_wait3A_37] : memref<10000x128xf32, #tpu.memory_space<hbm>> -> memref<10000x128xf32, #tpu.memory_space<hbm>>
      tpu.wait_indirect_dma semaphore(%arg12 : memref<!tpu.dma_semaphore, #tpu.memory_space<semaphore_mem>>) src(%dma_wait3A_38 : memref<10000x128xf32, #tpu.memory_space<hbm>>) dst(%arg9 : memref<80x128xf32, #tpu.memory_space<vmem>>)
      "tpu.region"() ({
        %run_scoped3A = tpu.sem_alloc : memref<!tpu.dma_semaphore, #tpu.memory_space<semaphore_mem>>
        %dma_start3A_39 = arith.constant 0 : i32
        %dma_start3A_40 = arith.constant 0 : i32
        %dma_start3A_41 = tpu.memref_slice %arg11[%dma_start3A_39, %dma_start3A_40] : memref<10000x128xf32, #tpu.memory_space<vmem_shared>> -> memref<10000x128xf32, #tpu.memory_space<vmem_shared>>
        tpu.enqueue_indirect_dma source(%arg9 : memref<80x128xf32, #tpu.memory_space<vmem>>) target(%dma_start3A_41 : memref<10000x128xf32, #tpu.memory_space<vmem_shared>>) offsets(%arg8 : memref<80xi32, #tpu.memory_space<vmem>>) semaphore(%run_scoped3A : memref<!tpu.dma_semaphore, #tpu.memory_space<semaphore_mem>>) {add = true}
        %dma_wait3A_42 = arith.constant 0 : i32
        %dma_wait3A_43 = arith.constant 0 : i32
        %dma_wait3A_44 = tpu.memref_slice %arg11[%dma_wait3A_42, %dma_wait3A_43] : memref<10000x128xf32, #tpu.memory_space<vmem_shared>> -> memref<10000x128xf32, #tpu.memory_space<vmem_shared>>
        tpu.wait_indirect_dma semaphore(%run_scoped3A : memref<!tpu.dma_semaphore, #tpu.memory_space<semaphore_mem>>) src(%arg9 : memref<80x128xf32, #tpu.memory_space<vmem>>) dst(%dma_wait3A_44 : memref<10000x128xf32, #tpu.memory_space<vmem_shared>>)
        tpu.yield
      }) : () -> ()
    }
    %scan3A_27 = arith.constant 125 : i32
    %barrier3A_28 = arith.constant 0 : index
    tpu.barrier barrier_id(%barrier3A_28)
    %mul3A_29 = arith.constant 625 : i32
    %mul3A_30 = arith.muli %arg1, %mul3A_29 : i32
    "tpu.region"() ({
      %run_scoped3A = tpu.sem_alloc : memref<!tpu.dma_semaphore, #tpu.memory_space<semaphore_mem>>
      %dma_start3A = arith.constant 0 : i32
      %dma_start3A_31 = arith.constant 0 : i32
      %dma_start3A_32 = tpu.memref_slice %arg6[%arg0, %arg1, %dma_start3A, %dma_start3A_31] : memref<2x16x625x128xf32, #tpu.memory_space<hbm>> -> memref<1x1x625x128xf32, #tpu.memory_space<hbm>>
      %dma_start3A_33 = tpu.memref_squeeze %dma_start3A_32 : memref<1x1x625x128xf32, #tpu.memory_space<hbm>> -> memref<625x128xf32, #tpu.memory_space<hbm>>
      %dma_start3A_34 = arith.constant 0 : i32
      %dma_start3A_35 = tpu.memref_slice %arg11[%mul3A_30, %dma_start3A_34] : memref<10000x128xf32, #tpu.memory_space<vmem_shared>> -> memref<625x128xf32, #tpu.memory_space<vmem_shared>>
      tpu.enqueue_dma source(%dma_start3A_35 : memref<625x128xf32, #tpu.memory_space<vmem_shared>>) target(%dma_start3A_33 : memref<625x128xf32, #tpu.memory_space<hbm>>) target_semaphore(%run_scoped3A : memref<!tpu.dma_semaphore, #tpu.memory_space<semaphore_mem>>)
      %dma_wait3A = arith.constant 0 : i32
      %dma_wait3A_36 = arith.constant 0 : i32
      %dma_wait3A_37 = tpu.memref_slice %arg6[%arg0, %arg1, %dma_wait3A, %dma_wait3A_36] : memref<2x16x625x128xf32, #tpu.memory_space<hbm>> -> memref<1x1x625x128xf32, #tpu.memory_space<hbm>>
      %dma_wait3A_38 = tpu.memref_squeeze %dma_wait3A_37 : memref<1x1x625x128xf32, #tpu.memory_space<hbm>> -> memref<625x128xf32, #tpu.memory_space<hbm>>
      %dma_wait3A_39 = arith.constant 0 : i32
      %dma_wait3A_40 = tpu.memref_slice %arg11[%mul3A_30, %dma_wait3A_39] : memref<10000x128xf32, #tpu.memory_space<vmem_shared>> -> memref<625x128xf32, #tpu.memory_space<vmem_shared>>
      tpu.wait_dma2 semaphore(%run_scoped3A : memref<!tpu.dma_semaphore, #tpu.memory_space<semaphore_mem>>) src(%dma_wait3A_40 : memref<625x128xf32, #tpu.memory_space<vmem_shared>>) dst(%dma_wait3A_38 : memref<625x128xf32, #tpu.memory_space<hbm>>)
      tpu.yield
    }) : () -> ()
    return
  }
}

#map = affine_map<(d0, d1) -> (0, 0)>
#map1 = affine_map<(d0, d1) -> (0)>
#map2 = affine_map<(d0, d1) -> (0, 0, 0, 0)>
module attributes {stable_mosaic.version = 14 : i64} {
  func.func @agg(%arg0: i32, %arg1: i32, %arg2: memref<10000x128xf32, #tpu.memory_space<hbm>>, %arg3: memref<320000xi32, #tpu.memory_space<hbm>>, %arg4: memref<320000xi32, #tpu.memory_space<hbm>>, %arg5: memref<125x128xf32, #tpu.memory_space<hbm>>, %arg6: memref<2x16x625x128xf32, #tpu.memory_space<hbm>>, %arg7: memref<80xi32, #tpu.memory_space<vmem>>, %arg8: memref<80xi32, #tpu.memory_space<vmem>>, %arg9: memref<80x128xf32, #tpu.memory_space<vmem>>, %arg10: memref<125x128xf32, #tpu.memory_space<vmem>>, %arg11: memref<10000x128xf32, #tpu.memory_space<vmem_shared>>, %arg12: memref<!tpu.dma_semaphore, #tpu.memory_space<semaphore_mem>>) attributes {dimension_semantics = [#tpu.dimension_semantics<core_parallel>, #tpu.dimension_semantics<subcore_parallel>], iteration_bounds = array<i64: 2, 16>, scalar_prefetch = 0 : i64, scratch_operands = 6 : i64, tpu.core_type = #tpu.core_type<sc_vector_subcore>, window_params = [{transform_indices = #map}, {transform_indices = #map1}, {transform_indices = #map1}, {transform_indices = #map}, {transform_indices = #map2}]} {
    %mul3A = arith.constant 2 : i32
    %mul3A_0 = arith.muli %arg1, %mul3A : i32
    %add3A = arith.addi %mul3A_0, %arg0 : i32
    "tpu.region"() ({
      %run_scoped3A = tpu.sem_alloc : memref<!tpu.dma_semaphore, #tpu.memory_space<semaphore_mem>>
      tpu.enqueue_dma source(%arg5 : memref<125x128xf32, #tpu.memory_space<hbm>>) target(%arg10 : memref<125x128xf32, #tpu.memory_space<vmem>>) target_semaphore(%run_scoped3A : memref<!tpu.dma_semaphore, #tpu.memory_space<semaphore_mem>>)
      tpu.wait_dma2 semaphore(%run_scoped3A : memref<!tpu.dma_semaphore, #tpu.memory_space<semaphore_mem>>) src(%arg5 : memref<125x128xf32, #tpu.memory_space<hbm>>) dst(%arg10 : memref<125x128xf32, #tpu.memory_space<vmem>>)
      tpu.yield
    }) : () -> ()
    %mul3A_1 = arith.constant 625 : i32
    %mul3A_2 = arith.muli %arg1, %mul3A_1 : i32
    %add3A_3 = arith.constant 0 : i32
    %add3A_4 = arith.addi %mul3A_2, %add3A_3 : i32
    "tpu.region"() ({
      %run_scoped3A = tpu.sem_alloc : memref<!tpu.dma_semaphore, #tpu.memory_space<semaphore_mem>>
      %dma_start3A = arith.constant 0 : i32
      %dma_start3A_31 = tpu.memref_slice %arg11[%add3A_4, %dma_start3A] : memref<10000x128xf32, #tpu.memory_space<vmem_shared>> -> memref<125x128xf32, #tpu.memory_space<vmem_shared>>
      %dma_start3A_32 = arith.constant 0 : i32
      %dma_start3A_33 = tpu.memref_slice %arg11[%add3A_4, %dma_start3A_32] : memref<10000x128xf32, #tpu.memory_space<vmem_shared>> -> memref<125x128xf32, #tpu.memory_space<vmem_shared>>
      tpu.enqueue_dma source(%arg10 : memref<125x128xf32, #tpu.memory_space<vmem>>) target(%dma_start3A_33 : memref<125x128xf32, #tpu.memory_space<vmem_shared>>) target_semaphore(%run_scoped3A : memref<!tpu.dma_semaphore, #tpu.memory_space<semaphore_mem>>)
      %dma_wait3A = arith.constant 0 : i32
      %dma_wait3A_34 = tpu.memref_slice %arg11[%add3A_4, %dma_wait3A] : memref<10000x128xf32, #tpu.memory_space<vmem_shared>> -> memref<125x128xf32, #tpu.memory_space<vmem_shared>>
      %dma_wait3A_35 = arith.constant 0 : i32
      %dma_wait3A_36 = tpu.memref_slice %arg11[%add3A_4, %dma_wait3A_35] : memref<10000x128xf32, #tpu.memory_space<vmem_shared>> -> memref<125x128xf32, #tpu.memory_space<vmem_shared>>
      tpu.wait_dma2 semaphore(%run_scoped3A : memref<!tpu.dma_semaphore, #tpu.memory_space<semaphore_mem>>) src(%arg10 : memref<125x128xf32, #tpu.memory_space<vmem>>) dst(%dma_wait3A_36 : memref<125x128xf32, #tpu.memory_space<vmem_shared>>)
      tpu.yield
    }) : () -> ()
    %mul3A_5 = arith.constant 625 : i32
    %mul3A_6 = arith.muli %arg1, %mul3A_5 : i32
    %add3A_7 = arith.constant 125 : i32
    %add3A_8 = arith.addi %mul3A_6, %add3A_7 : i32
    "tpu.region"() ({
      %run_scoped3A = tpu.sem_alloc : memref<!tpu.dma_semaphore, #tpu.memory_space<semaphore_mem>>
      %dma_start3A = arith.constant 0 : i32
      %dma_start3A_31 = tpu.memref_slice %arg11[%add3A_8, %dma_start3A] : memref<10000x128xf32, #tpu.memory_space<vmem_shared>> -> memref<125x128xf32, #tpu.memory_space<vmem_shared>>
      %dma_start3A_32 = arith.constant 0 : i32
      %dma_start3A_33 = tpu.memref_slice %arg11[%add3A_8, %dma_start3A_32] : memref<10000x128xf32, #tpu.memory_space<vmem_shared>> -> memref<125x128xf32, #tpu.memory_space<vmem_shared>>
      tpu.enqueue_dma source(%arg10 : memref<125x128xf32, #tpu.memory_space<vmem>>) target(%dma_start3A_33 : memref<125x128xf32, #tpu.memory_space<vmem_shared>>) target_semaphore(%run_scoped3A : memref<!tpu.dma_semaphore, #tpu.memory_space<semaphore_mem>>)
      %dma_wait3A = arith.constant 0 : i32
      %dma_wait3A_34 = tpu.memref_slice %arg11[%add3A_8, %dma_wait3A] : memref<10000x128xf32, #tpu.memory_space<vmem_shared>> -> memref<125x128xf32, #tpu.memory_space<vmem_shared>>
      %dma_wait3A_35 = arith.constant 0 : i32
      %dma_wait3A_36 = tpu.memref_slice %arg11[%add3A_8, %dma_wait3A_35] : memref<10000x128xf32, #tpu.memory_space<vmem_shared>> -> memref<125x128xf32, #tpu.memory_space<vmem_shared>>
      tpu.wait_dma2 semaphore(%run_scoped3A : memref<!tpu.dma_semaphore, #tpu.memory_space<semaphore_mem>>) src(%arg10 : memref<125x128xf32, #tpu.memory_space<vmem>>) dst(%dma_wait3A_36 : memref<125x128xf32, #tpu.memory_space<vmem_shared>>)
      tpu.yield
    }) : () -> ()
    %mul3A_9 = arith.constant 625 : i32
    %mul3A_10 = arith.muli %arg1, %mul3A_9 : i32
    %add3A_11 = arith.constant 250 : i32
    %add3A_12 = arith.addi %mul3A_10, %add3A_11 : i32
    "tpu.region"() ({
      %run_scoped3A = tpu.sem_alloc : memref<!tpu.dma_semaphore, #tpu.memory_space<semaphore_mem>>
      %dma_start3A = arith.constant 0 : i32
      %dma_start3A_31 = tpu.memref_slice %arg11[%add3A_12, %dma_start3A] : memref<10000x128xf32, #tpu.memory_space<vmem_shared>> -> memref<125x128xf32, #tpu.memory_space<vmem_shared>>
      %dma_start3A_32 = arith.constant 0 : i32
      %dma_start3A_33 = tpu.memref_slice %arg11[%add3A_12, %dma_start3A_32] : memref<10000x128xf32, #tpu.memory_space<vmem_shared>> -> memref<125x128xf32, #tpu.memory_space<vmem_shared>>
      tpu.enqueue_dma source(%arg10 : memref<125x128xf32, #tpu.memory_space<vmem>>) target(%dma_start3A_33 : memref<125x128xf32, #tpu.memory_space<vmem_shared>>) target_semaphore(%run_scoped3A : memref<!tpu.dma_semaphore, #tpu.memory_space<semaphore_mem>>)
      %dma_wait3A = arith.constant 0 : i32
      %dma_wait3A_34 = tpu.memref_slice %arg11[%add3A_12, %dma_wait3A] : memref<10000x128xf32, #tpu.memory_space<vmem_shared>> -> memref<125x128xf32, #tpu.memory_space<vmem_shared>>
      %dma_wait3A_35 = arith.constant 0 : i32
      %dma_wait3A_36 = tpu.memref_slice %arg11[%add3A_12, %dma_wait3A_35] : memref<10000x128xf32, #tpu.memory_space<vmem_shared>> -> memref<125x128xf32, #tpu.memory_space<vmem_shared>>
      tpu.wait_dma2 semaphore(%run_scoped3A : memref<!tpu.dma_semaphore, #tpu.memory_space<semaphore_mem>>) src(%arg10 : memref<125x128xf32, #tpu.memory_space<vmem>>) dst(%dma_wait3A_36 : memref<125x128xf32, #tpu.memory_space<vmem_shared>>)
      tpu.yield
    }) : () -> ()
    %mul3A_13 = arith.constant 625 : i32
    %mul3A_14 = arith.muli %arg1, %mul3A_13 : i32
    %add3A_15 = arith.constant 375 : i32
    %add3A_16 = arith.addi %mul3A_14, %add3A_15 : i32
    "tpu.region"() ({
      %run_scoped3A = tpu.sem_alloc : memref<!tpu.dma_semaphore, #tpu.memory_space<semaphore_mem>>
      %dma_start3A = arith.constant 0 : i32
      %dma_start3A_31 = tpu.memref_slice %arg11[%add3A_16, %dma_start3A] : memref<10000x128xf32, #tpu.memory_space<vmem_shared>> -> memref<125x128xf32, #tpu.memory_space<vmem_shared>>
      %dma_start3A_32 = arith.constant 0 : i32
      %dma_start3A_33 = tpu.memref_slice %arg11[%add3A_16, %dma_start3A_32] : memref<10000x128xf32, #tpu.memory_space<vmem_shared>> -> memref<125x128xf32, #tpu.memory_space<vmem_shared>>
      tpu.enqueue_dma source(%arg10 : memref<125x128xf32, #tpu.memory_space<vmem>>) target(%dma_start3A_33 : memref<125x128xf32, #tpu.memory_space<vmem_shared>>) target_semaphore(%run_scoped3A : memref<!tpu.dma_semaphore, #tpu.memory_space<semaphore_mem>>)
      %dma_wait3A = arith.constant 0 : i32
      %dma_wait3A_34 = tpu.memref_slice %arg11[%add3A_16, %dma_wait3A] : memref<10000x128xf32, #tpu.memory_space<vmem_shared>> -> memref<125x128xf32, #tpu.memory_space<vmem_shared>>
      %dma_wait3A_35 = arith.constant 0 : i32
      %dma_wait3A_36 = tpu.memref_slice %arg11[%add3A_16, %dma_wait3A_35] : memref<10000x128xf32, #tpu.memory_space<vmem_shared>> -> memref<125x128xf32, #tpu.memory_space<vmem_shared>>
      tpu.wait_dma2 semaphore(%run_scoped3A : memref<!tpu.dma_semaphore, #tpu.memory_space<semaphore_mem>>) src(%arg10 : memref<125x128xf32, #tpu.memory_space<vmem>>) dst(%dma_wait3A_36 : memref<125x128xf32, #tpu.memory_space<vmem_shared>>)
      tpu.yield
    }) : () -> ()
    %mul3A_17 = arith.constant 625 : i32
    %mul3A_18 = arith.muli %arg1, %mul3A_17 : i32
    %add3A_19 = arith.constant 500 : i32
    %add3A_20 = arith.addi %mul3A_18, %add3A_19 : i32
    "tpu.region"() ({
      %run_scoped3A = tpu.sem_alloc : memref<!tpu.dma_semaphore, #tpu.memory_space<semaphore_mem>>
      %dma_start3A = arith.constant 0 : i32
      %dma_start3A_31 = tpu.memref_slice %arg11[%add3A_20, %dma_start3A] : memref<10000x128xf32, #tpu.memory_space<vmem_shared>> -> memref<125x128xf32, #tpu.memory_space<vmem_shared>>
      %dma_start3A_32 = arith.constant 0 : i32
      %dma_start3A_33 = tpu.memref_slice %arg11[%add3A_20, %dma_start3A_32] : memref<10000x128xf32, #tpu.memory_space<vmem_shared>> -> memref<125x128xf32, #tpu.memory_space<vmem_shared>>
      tpu.enqueue_dma source(%arg10 : memref<125x128xf32, #tpu.memory_space<vmem>>) target(%dma_start3A_33 : memref<125x128xf32, #tpu.memory_space<vmem_shared>>) target_semaphore(%run_scoped3A : memref<!tpu.dma_semaphore, #tpu.memory_space<semaphore_mem>>)
      %dma_wait3A = arith.constant 0 : i32
      %dma_wait3A_34 = tpu.memref_slice %arg11[%add3A_20, %dma_wait3A] : memref<10000x128xf32, #tpu.memory_space<vmem_shared>> -> memref<125x128xf32, #tpu.memory_space<vmem_shared>>
      %dma_wait3A_35 = arith.constant 0 : i32
      %dma_wait3A_36 = tpu.memref_slice %arg11[%add3A_20, %dma_wait3A_35] : memref<10000x128xf32, #tpu.memory_space<vmem_shared>> -> memref<125x128xf32, #tpu.memory_space<vmem_shared>>
      tpu.wait_dma2 semaphore(%run_scoped3A : memref<!tpu.dma_semaphore, #tpu.memory_space<semaphore_mem>>) src(%arg10 : memref<125x128xf32, #tpu.memory_space<vmem>>) dst(%dma_wait3A_36 : memref<125x128xf32, #tpu.memory_space<vmem_shared>>)
      tpu.yield
    }) : () -> ()
    %barrier3A = arith.constant 0 : index
    tpu.barrier barrier_id(%barrier3A)
    %mul3A_21 = arith.constant 10000 : i32
    %mul3A_22 = arith.muli %add3A, %mul3A_21 : i32
    %scan3A = arith.constant 0 : i32
    %scan3A_23 = arith.constant 0 : i32
    %scan3A_24 = arith.constant 125 : i32
    %scan3A_25 = arith.addi %scan3A_23, %scan3A_24 : i32
    %scan3A_26 = arith.constant 1 : i32
    scf.for %scan3A_31 = %scan3A_23 to %scan3A_25 step %scan3A_26  : i32 {
      %mul3A_32 = arith.constant 80 : i32
      %mul3A_33 = arith.muli %scan3A_31, %mul3A_32 : i32
      %add3A_34 = arith.addi %mul3A_22, %mul3A_33 : i32
      "tpu.region"() ({
        %run_scoped3A = tpu.sem_alloc : memref<!tpu.dma_semaphore, #tpu.memory_space<semaphore_mem>>
        %dma_start3A_39 = tpu.memref_slice %arg3[%add3A_34] : memref<320000xi32, #tpu.memory_space<hbm>> -> memref<80xi32, #tpu.memory_space<hbm>>
        %dma_start3A_40 = tpu.memref_slice %arg3[%add3A_34] : memref<320000xi32, #tpu.memory_space<hbm>> -> memref<80xi32, #tpu.memory_space<hbm>>
        tpu.enqueue_dma source(%dma_start3A_40 : memref<80xi32, #tpu.memory_space<hbm>>) target(%arg7 : memref<80xi32, #tpu.memory_space<vmem>>) target_semaphore(%run_scoped3A : memref<!tpu.dma_semaphore, #tpu.memory_space<semaphore_mem>>)
        %dma_wait3A_41 = tpu.memref_slice %arg3[%add3A_34] : memref<320000xi32, #tpu.memory_space<hbm>> -> memref<80xi32, #tpu.memory_space<hbm>>
        %dma_wait3A_42 = tpu.memref_slice %arg3[%add3A_34] : memref<320000xi32, #tpu.memory_space<hbm>> -> memref<80xi32, #tpu.memory_space<hbm>>
        tpu.wait_dma2 semaphore(%run_scoped3A : memref<!tpu.dma_semaphore, #tpu.memory_space<semaphore_mem>>) src(%dma_wait3A_42 : memref<80xi32, #tpu.memory_space<hbm>>) dst(%arg7 : memref<80xi32, #tpu.memory_space<vmem>>)
        tpu.yield
      }) : () -> ()
      "tpu.region"() ({
        %run_scoped3A = tpu.sem_alloc : memref<!tpu.dma_semaphore, #tpu.memory_space<semaphore_mem>>
        %dma_start3A_39 = tpu.memref_slice %arg4[%add3A_34] : memref<320000xi32, #tpu.memory_space<hbm>> -> memref<80xi32, #tpu.memory_space<hbm>>
        %dma_start3A_40 = tpu.memref_slice %arg4[%add3A_34] : memref<320000xi32, #tpu.memory_space<hbm>> -> memref<80xi32, #tpu.memory_space<hbm>>
        tpu.enqueue_dma source(%dma_start3A_40 : memref<80xi32, #tpu.memory_space<hbm>>) target(%arg8 : memref<80xi32, #tpu.memory_space<vmem>>) target_semaphore(%run_scoped3A : memref<!tpu.dma_semaphore, #tpu.memory_space<semaphore_mem>>)
        %dma_wait3A_41 = tpu.memref_slice %arg4[%add3A_34] : memref<320000xi32, #tpu.memory_space<hbm>> -> memref<80xi32, #tpu.memory_space<hbm>>
        %dma_wait3A_42 = tpu.memref_slice %arg4[%add3A_34] : memref<320000xi32, #tpu.memory_space<hbm>> -> memref<80xi32, #tpu.memory_space<hbm>>
        tpu.wait_dma2 semaphore(%run_scoped3A : memref<!tpu.dma_semaphore, #tpu.memory_space<semaphore_mem>>) src(%dma_wait3A_42 : memref<80xi32, #tpu.memory_space<hbm>>) dst(%arg8 : memref<80xi32, #tpu.memory_space<vmem>>)
        tpu.yield
      }) : () -> ()
      %dma_start3A = arith.constant 0 : i32
      %dma_start3A_35 = arith.constant 0 : i32
      %dma_start3A_36 = tpu.memref_slice %arg2[%dma_start3A, %dma_start3A_35] : memref<10000x128xf32, #tpu.memory_space<hbm>> -> memref<10000x128xf32, #tpu.memory_space<hbm>>
      tpu.enqueue_indirect_dma source(%dma_start3A_36 : memref<10000x128xf32, #tpu.memory_space<hbm>>) target(%arg9 : memref<80x128xf32, #tpu.memory_space<vmem>>) offsets(%arg7 : memref<80xi32, #tpu.memory_space<vmem>>) semaphore(%arg12 : memref<!tpu.dma_semaphore, #tpu.memory_space<semaphore_mem>>)
      %dma_wait3A = arith.constant 0 : i32
      %dma_wait3A_37 = arith.constant 0 : i32
      %dma_wait3A_38 = tpu.memref_slice %arg2[%dma_wait3A, %dma_wait3A_37] : memref<10000x128xf32, #tpu.memory_space<hbm>> -> memref<10000x128xf32, #tpu.memory_space<hbm>>
      tpu.wait_indirect_dma semaphore(%arg12 : memref<!tpu.dma_semaphore, #tpu.memory_space<semaphore_mem>>) src(%dma_wait3A_38 : memref<10000x128xf32, #tpu.memory_space<hbm>>) dst(%arg9 : memref<80x128xf32, #tpu.memory_space<vmem>>)
      "tpu.region"() ({
        %run_scoped3A = tpu.sem_alloc : memref<!tpu.dma_semaphore, #tpu.memory_space<semaphore_mem>>
        %dma_start3A_39 = arith.constant 0 : i32
        %dma_start3A_40 = arith.constant 0 : i32
        %dma_start3A_41 = tpu.memref_slice %arg11[%dma_start3A_39, %dma_start3A_40] : memref<10000x128xf32, #tpu.memory_space<vmem_shared>> -> memref<10000x128xf32, #tpu.memory_space<vmem_shared>>
        tpu.enqueue_indirect_dma source(%arg9 : memref<80x128xf32, #tpu.memory_space<vmem>>) target(%dma_start3A_41 : memref<10000x128xf32, #tpu.memory_space<vmem_shared>>) offsets(%arg8 : memref<80xi32, #tpu.memory_space<vmem>>) semaphore(%run_scoped3A : memref<!tpu.dma_semaphore, #tpu.memory_space<semaphore_mem>>) {add = true}
        %dma_wait3A_42 = arith.constant 0 : i32
        %dma_wait3A_43 = arith.constant 0 : i32
        %dma_wait3A_44 = tpu.memref_slice %arg11[%dma_wait3A_42, %dma_wait3A_43] : memref<10000x128xf32, #tpu.memory_space<vmem_shared>> -> memref<10000x128xf32, #tpu.memory_space<vmem_shared>>
        tpu.wait_indirect_dma semaphore(%run_scoped3A : memref<!tpu.dma_semaphore, #tpu.memory_space<semaphore_mem>>) src(%arg9 : memref<80x128xf32, #tpu.memory_space<vmem>>) dst(%dma_wait3A_44 : memref<10000x128xf32, #tpu.memory_space<vmem_shared>>)
        tpu.yield
      }) : () -> ()
    }
    %scan3A_27 = arith.constant 125 : i32
    %barrier3A_28 = arith.constant 0 : index
    tpu.barrier barrier_id(%barrier3A_28)
    %mul3A_29 = arith.constant 625 : i32
    %mul3A_30 = arith.muli %arg1, %mul3A_29 : i32
    "tpu.region"() ({
      %run_scoped3A = tpu.sem_alloc : memref<!tpu.dma_semaphore, #tpu.memory_space<semaphore_mem>>
      %dma_start3A = arith.constant 0 : i32
      %dma_start3A_31 = arith.constant 0 : i32
      %dma_start3A_32 = tpu.memref_slice %arg6[%arg0, %arg1, %dma_start3A, %dma_start3A_31] : memref<2x16x625x128xf32, #tpu.memory_space<hbm>> -> memref<1x1x625x128xf32, #tpu.memory_space<hbm>>
      %dma_start3A_33 = tpu.memref_squeeze %dma_start3A_32 : memref<1x1x625x128xf32, #tpu.memory_space<hbm>> -> memref<625x128xf32, #tpu.memory_space<hbm>>
      %dma_start3A_34 = arith.constant 0 : i32
      %dma_start3A_35 = tpu.memref_slice %arg11[%mul3A_30, %dma_start3A_34] : memref<10000x128xf32, #tpu.memory_space<vmem_shared>> -> memref<625x128xf32, #tpu.memory_space<vmem_shared>>
      tpu.enqueue_dma source(%dma_start3A_35 : memref<625x128xf32, #tpu.memory_space<vmem_shared>>) target(%dma_start3A_33 : memref<625x128xf32, #tpu.memory_space<hbm>>) target_semaphore(%run_scoped3A : memref<!tpu.dma_semaphore, #tpu.memory_space<semaphore_mem>>)
      %dma_wait3A = arith.constant 0 : i32
      %dma_wait3A_36 = arith.constant 0 : i32
      %dma_wait3A_37 = tpu.memref_slice %arg6[%arg0, %arg1, %dma_wait3A, %dma_wait3A_36] : memref<2x16x625x128xf32, #tpu.memory_space<hbm>> -> memref<1x1x625x128xf32, #tpu.memory_space<hbm>>
      %dma_wait3A_38 = tpu.memref_squeeze %dma_wait3A_37 : memref<1x1x625x128xf32, #tpu.memory_space<hbm>> -> memref<625x128xf32, #tpu.memory_space<hbm>>
      %dma_wait3A_39 = arith.constant 0 : i32
      %dma_wait3A_40 = tpu.memref_slice %arg11[%mul3A_30, %dma_wait3A_39] : memref<10000x128xf32, #tpu.memory_space<vmem_shared>> -> memref<625x128xf32, #tpu.memory_space<vmem_shared>>
      tpu.wait_dma2 semaphore(%run_scoped3A : memref<!tpu.dma_semaphore, #tpu.memory_space<semaphore_mem>>) src(%dma_wait3A_40 : memref<625x128xf32, #tpu.memory_space<vmem_shared>>) dst(%dma_wait3A_38 : memref<625x128xf32, #tpu.memory_space<hbm>>)
      tpu.yield
    }) : () -> ()
    return
  }
}

module attributes {stable_mosaic.version = 14 : i64} {
  func.func @_mlp_body(%arg0: i32, %arg1: memref<1x1xf32, #tpu.memory_space<smem>>, %arg2: memref<1000x128xf32, #tpu.memory_space<vmem>>, %arg3: memref<1000x128xf32, #tpu.memory_space<vmem>>, %arg4: memref<1000x128xf32, #tpu.memory_space<vmem>>, %arg5: memref<128x128xf32, #tpu.memory_space<vmem>>, %arg6: memref<1x128xf32, #tpu.memory_space<vmem>>, %arg7: memref<128x128xf32, #tpu.memory_space<vmem>>, %arg8: memref<1x128xf32, #tpu.memory_space<vmem>>, %arg9: memref<1000x128xf32, #tpu.memory_space<vmem>>) attributes {dimension_semantics = [#tpu.dimension_semantics<arbitrary>], iteration_bounds = array<i64: 10>, scalar_prefetch = 0 : i64, scratch_operands = 0 : i64, tpu.core_type = #tpu.core_type<tc>, window_params = [{transform_indices = @transform_0, window_bounds = array<i64: 1, 1>}, {transform_indices = @transform_1, window_bounds = array<i64: 1000, 128>}, {transform_indices = @transform_2, window_bounds = array<i64: 1000, 128>}, {transform_indices = @transform_3, window_bounds = array<i64: 1000, 128>}, {pipeline_mode = #tpu.pipeline_mode<synchronous>, transform_indices = @transform_4, window_bounds = array<i64: 128, 128>}, {pipeline_mode = #tpu.pipeline_mode<synchronous>, transform_indices = @transform_5, window_bounds = array<i64: 1, 128>}, {pipeline_mode = #tpu.pipeline_mode<synchronous>, transform_indices = @transform_6, window_bounds = array<i64: 128, 128>}, {pipeline_mode = #tpu.pipeline_mode<synchronous>, transform_indices = @transform_7, window_bounds = array<i64: 1, 128>}, {transform_indices = @transform_8, window_bounds = array<i64: 1000, 128>}]} {
    %get3A = arith.constant 0 : index
    %get3A_0 = arith.constant 0 : index
    %get3A_1 = memref.load %arg1[%get3A, %get3A_0] : memref<1x1xf32, #tpu.memory_space<smem>>
    %add3A = arith.constant 1.000000e+00 : f32
    %add3A_2 = arith.addf %add3A, %get3A_1 : f32
    %get3A_3 = arith.constant 0 : index
    %get3A_4 = arith.constant 0 : index
    %get3A_5 = vector.load %arg2[%get3A_3, %get3A_4] : memref<1000x128xf32, #tpu.memory_space<vmem>>, vector<1000x128xf32>
    %mul3A = vector.broadcast %add3A_2 : f32 to vector<1000x128xf32>
    %mul3A_6 = arith.mulf %mul3A, %get3A_5 : vector<1000x128xf32>
    %get3A_7 = arith.constant 0 : index
    %get3A_8 = arith.constant 0 : index
    %get3A_9 = vector.load %arg3[%get3A_7, %get3A_8] : memref<1000x128xf32, #tpu.memory_space<vmem>>, vector<1000x128xf32>
    %add3A_10 = arith.addf %mul3A_6, %get3A_9 : vector<1000x128xf32>
    %get3A_11 = arith.constant 0 : index
    %get3A_12 = arith.constant 0 : index
    %get3A_13 = vector.load %arg4[%get3A_11, %get3A_12] : memref<1000x128xf32, #tpu.memory_space<vmem>>, vector<1000x128xf32>
    %add3A_14 = arith.addf %add3A_10, %get3A_13 : vector<1000x128xf32>
    %get3A_15 = arith.constant 0 : index
    %get3A_16 = arith.constant 0 : index
    %get3A_17 = vector.load %arg5[%get3A_15, %get3A_16] : memref<128x128xf32, #tpu.memory_space<vmem>>, vector<128x128xf32>
    %dot_general3A = arith.constant dense<0.000000e+00> : vector<1000x128xf32>
    %dot_general3A_18 = tpu.matmul %add3A_14, %get3A_17, %dot_general3A {dimension_numbers = #tpu.dot_dimension_numbers<[1], [0], [0], [1], [0, 0, 1, 1], [], []>, transpose_lhs_hint = false} : vector<1000x128xf32>, vector<128x128xf32>, vector<1000x128xf32> -> vector<1000x128xf32>
    %get3A_19 = arith.constant 0 : index
    %get3A_20 = arith.constant 0 : index
    %get3A_21 = vector.load %arg6[%get3A_19, %get3A_20] : memref<1x128xf32, #tpu.memory_space<vmem>>, vector<1x128xf32>
    %add3A_22 = vector.broadcast %get3A_21 : vector<1x128xf32> to vector<1000x128xf32>
    %add3A_23 = arith.addf %dot_general3A_18, %add3A_22 : vector<1000x128xf32>
    %max3A = arith.constant 0.000000e+00 : f32
    %max3A_24 = vector.broadcast %max3A : f32 to vector<1000x128xf32>
    %max3A_25 = arith.maximumf %add3A_23, %max3A_24 : vector<1000x128xf32>
    %get3A_26 = arith.constant 0 : index
    %get3A_27 = arith.constant 0 : index
    %get3A_28 = vector.load %arg7[%get3A_26, %get3A_27] : memref<128x128xf32, #tpu.memory_space<vmem>>, vector<128x128xf32>
    %dot_general3A_29 = arith.constant dense<0.000000e+00> : vector<1000x128xf32>
    %dot_general3A_30 = tpu.matmul %max3A_25, %get3A_28, %dot_general3A_29 {dimension_numbers = #tpu.dot_dimension_numbers<[1], [0], [0], [1], [0, 0, 1, 1], [], []>, transpose_lhs_hint = false} : vector<1000x128xf32>, vector<128x128xf32>, vector<1000x128xf32> -> vector<1000x128xf32>
    %get3A_31 = arith.constant 0 : index
    %get3A_32 = arith.constant 0 : index
    %get3A_33 = vector.load %arg8[%get3A_31, %get3A_32] : memref<1x128xf32, #tpu.memory_space<vmem>>, vector<1x128xf32>
    %add3A_34 = vector.broadcast %get3A_33 : vector<1x128xf32> to vector<1000x128xf32>
    %add3A_35 = arith.addf %dot_general3A_30, %add3A_34 : vector<1000x128xf32>
    %max3A_36 = arith.constant 0.000000e+00 : f32
    %max3A_37 = vector.broadcast %max3A_36 : f32 to vector<1000x128xf32>
    %max3A_38 = arith.maximumf %add3A_35, %max3A_37 : vector<1000x128xf32>
    %swap3A = arith.constant 0 : index
    %swap3A_39 = arith.constant 0 : index
    %swap3A_40 = vector.load %arg9[%swap3A, %swap3A_39] : memref<1000x128xf32, #tpu.memory_space<vmem>>, vector<1000x128xf32>
    tpu.vector_store %arg9[%swap3A, %swap3A_39], %max3A_38 {strides = array<i32>} : memref<1000x128xf32, #tpu.memory_space<vmem>>, vector<1000x128xf32>,
    return
  }
  func.func @transform_0(%arg0: i32) -> (i32, i32) {
    %c0_i32 = arith.constant 0 : i32
    %c0_i32_0 = arith.constant 0 : i32
    %c0_i32_1 = arith.constant 0 : i32
    return %c0_i32, %c0_i32_0 : i32, i32
  }
  func.func @transform_1(%arg0: i32) -> (i32, i32) {
    %c0_i32 = arith.constant 0 : i32
    %c0_i32_0 = arith.constant 0 : i32
    return %arg0, %c0_i32 : i32, i32
  }
  func.func @transform_2(%arg0: i32) -> (i32, i32) {
    %c0_i32 = arith.constant 0 : i32
    %c0_i32_0 = arith.constant 0 : i32
    return %arg0, %c0_i32 : i32, i32
  }
  func.func @transform_3(%arg0: i32) -> (i32, i32) {
    %add3A = arith.constant 10 : i32
    %add3A_0 = arith.addi %arg0, %add3A : i32
    %c0_i32 = arith.constant 0 : i32
    %c0_i32_1 = arith.constant 0 : i32
    return %add3A_0, %c0_i32 : i32, i32
  }
  func.func @transform_4(%arg0: i32) -> (i32, i32) {
    %c0_i32 = arith.constant 0 : i32
    %c0_i32_0 = arith.constant 0 : i32
    %c0_i32_1 = arith.constant 0 : i32
    return %c0_i32, %c0_i32_0 : i32, i32
  }
  func.func @transform_5(%arg0: i32) -> (i32, i32) {
    %c0_i32 = arith.constant 0 : i32
    %c0_i32_0 = arith.constant 0 : i32
    %c0_i32_1 = arith.constant 0 : i32
    return %c0_i32, %c0_i32_0 : i32, i32
  }
  func.func @transform_6(%arg0: i32) -> (i32, i32) {
    %c0_i32 = arith.constant 0 : i32
    %c0_i32_0 = arith.constant 0 : i32
    %c0_i32_1 = arith.constant 0 : i32
    return %c0_i32, %c0_i32_0 : i32, i32
  }
  func.func @transform_7(%arg0: i32) -> (i32, i32) {
    %c0_i32 = arith.constant 0 : i32
    %c0_i32_0 = arith.constant 0 : i32
    %c0_i32_1 = arith.constant 0 : i32
    return %c0_i32, %c0_i32_0 : i32, i32
  }
  func.func @transform_8(%arg0: i32) -> (i32, i32) {
    %c0_i32 = arith.constant 0 : i32
    %c0_i32_0 = arith.constant 0 : i32
    return %arg0, %c0_i32 : i32, i32
  }
}

module attributes {stable_mosaic.version = 14 : i64} {
  func.func @_final_body(%arg0: i32, %arg1: memref<1x1xf32, #tpu.memory_space<smem>>, %arg2: memref<1x1xf32, #tpu.memory_space<smem>>, %arg3: memref<1000x128xf32, #tpu.memory_space<vmem>>, %arg4: memref<1000x128xf32, #tpu.memory_space<vmem>>, %arg5: memref<1000x128xf32, #tpu.memory_space<vmem>>, %arg6: memref<128x128xf32, #tpu.memory_space<vmem>>, %arg7: memref<1x128xf32, #tpu.memory_space<vmem>>, %arg8: memref<128x128xf32, #tpu.memory_space<vmem>>, %arg9: memref<1x128xf32, #tpu.memory_space<vmem>>, %arg10: memref<128x64xf32, #tpu.memory_space<vmem>>, %arg11: memref<1x64xf32, #tpu.memory_space<vmem>>, %arg12: memref<1x64xf32, #tpu.memory_space<vmem>>, %arg13: memref<1000x1xf32, #tpu.memory_space<vmem>>) attributes {dimension_semantics = [#tpu.dimension_semantics<arbitrary>], iteration_bounds = array<i64: 10>, scalar_prefetch = 0 : i64, scratch_operands = 0 : i64, tpu.core_type = #tpu.core_type<tc>, window_params = [{transform_indices = @transform_0, window_bounds = array<i64: 1, 1>}, {transform_indices = @transform_1, window_bounds = array<i64: 1, 1>}, {transform_indices = @transform_2, window_bounds = array<i64: 1000, 128>}, {transform_indices = @transform_3, window_bounds = array<i64: 1000, 128>}, {transform_indices = @transform_4, window_bounds = array<i64: 1000, 128>}, {pipeline_mode = #tpu.pipeline_mode<synchronous>, transform_indices = @transform_5, window_bounds = array<i64: 128, 128>}, {pipeline_mode = #tpu.pipeline_mode<synchronous>, transform_indices = @transform_6, window_bounds = array<i64: 1, 128>}, {pipeline_mode = #tpu.pipeline_mode<synchronous>, transform_indices = @transform_7, window_bounds = array<i64: 128, 128>}, {pipeline_mode = #tpu.pipeline_mode<synchronous>, transform_indices = @transform_8, window_bounds = array<i64: 1, 128>}, {pipeline_mode = #tpu.pipeline_mode<synchronous>, transform_indices = @transform_9, window_bounds = array<i64: 128, 64>}, {pipeline_mode = #tpu.pipeline_mode<synchronous>, transform_indices = @transform_10, window_bounds = array<i64: 1, 64>}, {pipeline_mode = #tpu.pipeline_mode<synchronous>, transform_indices = @transform_11, window_bounds = array<i64: 1, 64>}, {transform_indices = @transform_12, window_bounds = array<i64: 1000, 1>}]} {
    %get3A = arith.constant 0 : index
    %get3A_0 = arith.constant 0 : index
    %get3A_1 = memref.load %arg1[%get3A, %get3A_0] : memref<1x1xf32, #tpu.memory_space<smem>>
    %add3A = arith.constant 1.000000e+00 : f32
    %add3A_2 = arith.addf %add3A, %get3A_1 : f32
    %get3A_3 = arith.constant 0 : index
    %get3A_4 = arith.constant 0 : index
    %get3A_5 = vector.load %arg3[%get3A_3, %get3A_4] : memref<1000x128xf32, #tpu.memory_space<vmem>>, vector<1000x128xf32>
    %mul3A = vector.broadcast %add3A_2 : f32 to vector<1000x128xf32>
    %mul3A_6 = arith.mulf %mul3A, %get3A_5 : vector<1000x128xf32>
    %get3A_7 = arith.constant 0 : index
    %get3A_8 = arith.constant 0 : index
    %get3A_9 = vector.load %arg4[%get3A_7, %get3A_8] : memref<1000x128xf32, #tpu.memory_space<vmem>>, vector<1000x128xf32>
    %add3A_10 = arith.addf %mul3A_6, %get3A_9 : vector<1000x128xf32>
    %get3A_11 = arith.constant 0 : index
    %get3A_12 = arith.constant 0 : index
    %get3A_13 = vector.load %arg5[%get3A_11, %get3A_12] : memref<1000x128xf32, #tpu.memory_space<vmem>>, vector<1000x128xf32>
    %add3A_14 = arith.addf %add3A_10, %get3A_13 : vector<1000x128xf32>
    %get3A_15 = arith.constant 0 : index
    %get3A_16 = arith.constant 0 : index
    %get3A_17 = vector.load %arg6[%get3A_15, %get3A_16] : memref<128x128xf32, #tpu.memory_space<vmem>>, vector<128x128xf32>
    %dot_general3A = arith.constant dense<0.000000e+00> : vector<1000x128xf32>
    %dot_general3A_18 = tpu.matmul %add3A_14, %get3A_17, %dot_general3A {dimension_numbers = #tpu.dot_dimension_numbers<[1], [0], [0], [1], [0, 0, 1, 1], [], []>, transpose_lhs_hint = false} : vector<1000x128xf32>, vector<128x128xf32>, vector<1000x128xf32> -> vector<1000x128xf32>
    %get3A_19 = arith.constant 0 : index
    %get3A_20 = arith.constant 0 : index
    %get3A_21 = vector.load %arg7[%get3A_19, %get3A_20] : memref<1x128xf32, #tpu.memory_space<vmem>>, vector<1x128xf32>
    %add3A_22 = vector.broadcast %get3A_21 : vector<1x128xf32> to vector<1000x128xf32>
    %add3A_23 = arith.addf %dot_general3A_18, %add3A_22 : vector<1000x128xf32>
    %max3A = arith.constant 0.000000e+00 : f32
    %max3A_24 = vector.broadcast %max3A : f32 to vector<1000x128xf32>
    %max3A_25 = arith.maximumf %add3A_23, %max3A_24 : vector<1000x128xf32>
    %get3A_26 = arith.constant 0 : index
    %get3A_27 = arith.constant 0 : index
    %get3A_28 = vector.load %arg8[%get3A_26, %get3A_27] : memref<128x128xf32, #tpu.memory_space<vmem>>, vector<128x128xf32>
    %dot_general3A_29 = arith.constant dense<0.000000e+00> : vector<1000x128xf32>
    %dot_general3A_30 = tpu.matmul %max3A_25, %get3A_28, %dot_general3A_29 {dimension_numbers = #tpu.dot_dimension_numbers<[1], [0], [0], [1], [0, 0, 1, 1], [], []>, transpose_lhs_hint = false} : vector<1000x128xf32>, vector<128x128xf32>, vector<1000x128xf32> -> vector<1000x128xf32>
    %get3A_31 = arith.constant 0 : index
    %get3A_32 = arith.constant 0 : index
    %get3A_33 = vector.load %arg9[%get3A_31, %get3A_32] : memref<1x128xf32, #tpu.memory_space<vmem>>, vector<1x128xf32>
    %add3A_34 = vector.broadcast %get3A_33 : vector<1x128xf32> to vector<1000x128xf32>
    %add3A_35 = arith.addf %dot_general3A_30, %add3A_34 : vector<1000x128xf32>
    %max3A_36 = arith.constant 0.000000e+00 : f32
    %max3A_37 = vector.broadcast %max3A_36 : f32 to vector<1000x128xf32>
    %max3A_38 = arith.maximumf %add3A_35, %max3A_37 : vector<1000x128xf32>
    %get3A_39 = arith.constant 0 : index
    %get3A_40 = arith.constant 0 : index
    %get3A_41 = vector.load %arg10[%get3A_39, %get3A_40] : memref<128x64xf32, #tpu.memory_space<vmem>>, vector<128x64xf32>
    %dot_general3A_42 = arith.constant dense<0.000000e+00> : vector<1000x64xf32>
    %dot_general3A_43 = tpu.matmul %max3A_38, %get3A_41, %dot_general3A_42 {dimension_numbers = #tpu.dot_dimension_numbers<[1], [0], [0], [1], [0, 0, 1, 1], [], []>, transpose_lhs_hint = false} : vector<1000x128xf32>, vector<128x64xf32>, vector<1000x64xf32> -> vector<1000x64xf32>
    %get3A_44 = arith.constant 0 : index
    %get3A_45 = arith.constant 0 : index
    %get3A_46 = vector.load %arg11[%get3A_44, %get3A_45] : memref<1x64xf32, #tpu.memory_space<vmem>>, vector<1x64xf32>
    %add3A_47 = vector.broadcast %get3A_46 : vector<1x64xf32> to vector<1000x64xf32>
    %add3A_48 = arith.addf %dot_general3A_43, %add3A_47 : vector<1000x64xf32>
    %max3A_49 = arith.constant 0.000000e+00 : f32
    %max3A_50 = vector.broadcast %max3A_49 : f32 to vector<1000x64xf32>
    %max3A_51 = arith.maximumf %add3A_48, %max3A_50 : vector<1000x64xf32>
    %get3A_52 = arith.constant 0 : index
    %get3A_53 = arith.constant 0 : index
    %get3A_54 = vector.load %arg12[%get3A_52, %get3A_53] : memref<1x64xf32, #tpu.memory_space<vmem>>, vector<1x64xf32>
    %mul3A_55 = vector.broadcast %get3A_54 : vector<1x64xf32> to vector<1000x64xf32>
    %mul3A_56 = arith.mulf %max3A_51, %mul3A_55 : vector<1000x64xf32>
    %reduce_sum3A = arith.constant dense<0.000000e+00> : vector<1000xf32>
    %reduce_sum3A_57 = vector.multi_reduction <add>, %mul3A_56, %reduce_sum3A [1] : vector<1000x64xf32> to vector<1000xf32>
    %broadcast_in_dim3A = vector.shape_cast %reduce_sum3A_57 : vector<1000xf32> to vector<1000x1xf32>
    %get3A_58 = arith.constant 0 : index
    %get3A_59 = arith.constant 0 : index
    %get3A_60 = memref.load %arg2[%get3A_58, %get3A_59] : memref<1x1xf32, #tpu.memory_space<smem>>
    %add3A_61 = vector.broadcast %get3A_60 : f32 to vector<1000x1xf32>
    %add3A_62 = arith.addf %broadcast_in_dim3A, %add3A_61 : vector<1000x1xf32>
    %neg3A = arith.constant 0.000000e+00 : f32
    %neg3A_63 = vector.broadcast %neg3A : f32 to vector<1000x1xf32>
    %neg3A_64 = arith.subf %neg3A_63, %add3A_62 : vector<1000x1xf32>
    %exp3A = math.exp %neg3A_64 : vector<1000x1xf32>
    %add3A_65 = arith.constant 1.000000e+00 : f32
    %add3A_66 = vector.broadcast %add3A_65 : f32 to vector<1000x1xf32>
    %add3A_67 = arith.addf %add3A_66, %exp3A : vector<1000x1xf32>
    %div3A = arith.constant 1.000000e+00 : f32
    %div3A_68 = vector.broadcast %div3A : f32 to vector<1000x1xf32>
    %div3A_69 = arith.divf %div3A_68, %add3A_67 : vector<1000x1xf32>
    %swap3A = arith.constant 0 : index
    %swap3A_70 = arith.constant 0 : index
    %swap3A_71 = vector.load %arg13[%swap3A, %swap3A_70] : memref<1000x1xf32, #tpu.memory_space<vmem>>, vector<1000x1xf32>
    tpu.vector_store %arg13[%swap3A, %swap3A_70], %div3A_69 {strides = array<i32>} : memref<1000x1xf32, #tpu.memory_space<vmem>>, vector<1000x1xf32>,
    return
  }
  func.func @transform_0(%arg0: i32) -> (i32, i32) {
    %c0_i32 = arith.constant 0 : i32
    %c0_i32_0 = arith.constant 0 : i32
    %c0_i32_1 = arith.constant 0 : i32
    return %c0_i32, %c0_i32_0 : i32, i32
  }
  func.func @transform_1(%arg0: i32) -> (i32, i32) {
    %c0_i32 = arith.constant 0 : i32
    %c0_i32_0 = arith.constant 0 : i32
    %c0_i32_1 = arith.constant 0 : i32
    return %c0_i32, %c0_i32_0 : i32, i32
  }
  func.func @transform_2(%arg0: i32) -> (i32, i32) {
    %c0_i32 = arith.constant 0 : i32
    %c0_i32_0 = arith.constant 0 : i32
    return %arg0, %c0_i32 : i32, i32
  }
  func.func @transform_3(%arg0: i32) -> (i32, i32) {
    %c0_i32 = arith.constant 0 : i32
    %c0_i32_0 = arith.constant 0 : i32
    return %arg0, %c0_i32 : i32, i32
  }
  func.func @transform_4(%arg0: i32) -> (i32, i32) {
    %add3A = arith.constant 10 : i32
    %add3A_0 = arith.addi %arg0, %add3A : i32
    %c0_i32 = arith.constant 0 : i32
    %c0_i32_1 = arith.constant 0 : i32
    return %add3A_0, %c0_i32 : i32, i32
  }
  func.func @transform_5(%arg0: i32) -> (i32, i32) {
    %c0_i32 = arith.constant 0 : i32
    %c0_i32_0 = arith.constant 0 : i32
    %c0_i32_1 = arith.constant 0 : i32
    return %c0_i32, %c0_i32_0 : i32, i32
  }
  func.func @transform_6(%arg0: i32) -> (i32, i32) {
    %c0_i32 = arith.constant 0 : i32
    %c0_i32_0 = arith.constant 0 : i32
    %c0_i32_1 = arith.constant 0 : i32
    return %c0_i32, %c0_i32_0 : i32, i32
  }
  func.func @transform_7(%arg0: i32) -> (i32, i32) {
    %c0_i32 = arith.constant 0 : i32
    %c0_i32_0 = arith.constant 0 : i32
    %c0_i32_1 = arith.constant 0 : i32
    return %c0_i32, %c0_i32_0 : i32, i32
  }
  func.func @transform_8(%arg0: i32) -> (i32, i32) {
    %c0_i32 = arith.constant 0 : i32
    %c0_i32_0 = arith.constant 0 : i32
    %c0_i32_1 = arith.constant 0 : i32
    return %c0_i32, %c0_i32_0 : i32, i32
  }
  func.func @transform_9(%arg0: i32) -> (i32, i32) {
    %c0_i32 = arith.constant 0 : i32
    %c0_i32_0 = arith.constant 0 : i32
    %c0_i32_1 = arith.constant 0 : i32
    return %c0_i32, %c0_i32_0 : i32, i32
  }
  func.func @transform_10(%arg0: i32) -> (i32, i32) {
    %c0_i32 = arith.constant 0 : i32
    %c0_i32_0 = arith.constant 0 : i32
    %c0_i32_1 = arith.constant 0 : i32
    return %c0_i32, %c0_i32_0 : i32, i32
  }
  func.func @transform_11(%arg0: i32) -> (i32, i32) {
    %c0_i32 = arith.constant 0 : i32
    %c0_i32_0 = arith.constant 0 : i32
    %c0_i32_1 = arith.constant 0 : i32
    return %c0_i32, %c0_i32_0 : i32, i32
  }
  func.func @transform_12(%arg0: i32) -> (i32, i32) {
    %c0_i32 = arith.constant 0 : i32
    %c0_i32_0 = arith.constant 0 : i32
    return %arg0, %c0_i32 : i32, i32
  }
}

</mosaic_0001>

<sc_bundles>
// kernel: kernel.11.cloned.1.call-start
scs
__scs_entry_jumppad:
0x0: {  	(pc) =	sbr.rel $0x88, $3  }
0x1: {  	(tag) =	ssettag $0x0;
	lr =	simm.s32 $0x1  }
0x2: {  	[smem:$0x3F8C] =	sst lr;
	_ =	strace $0xD0000000  }
0x3: {  	_ = 	snop  }
0x4: {  	_ = 	snop  }
0x5: {  	_ = 	snop  }
0x6: {  	_ = 	snop  }
0x7: {  	_ = 	snop  }
__scs_overlays_trampoline_lowered:
0x8: {  	[smem:$0x3F9B] =	sst s0  }
0x9: {  	[smem:$0x3F9C] =	sst s1  }
0xa: {  	[smem:$0x3F9D] =	sst s2  }
0xb: {  	[smem:$0x3F9E] =	sst s3  }
0xc: {  	[smem:$0x3F9F] =	sst s4  }
0xd: {  	[smem:$0x3FA0] =	sst s5  }
0xe: {  	[smem:$0x3FA1] =	sst s6  }
0xf: {  	[smem:$0x3FA2] =	sst s7  }
0x10: {  	[smem:$0x3FA3] =	sst s8  }
0x11: {  	[smem:$0x3FA4] =	sst s9;
	s0 =	simm.s32 @!p0 $0x0  }
0x12: {  	s1 =	sld [smem:$0x3F8A];
	s0 =	simm.s32 @p0 $0x1  }
0x13: {  	[smem:$0x3FA5] =	sst s0;
	s0 =	simm.s32 @!p1 $0x0  }
0x14: {  	s2 =	sld [smem:$0x3F89];
	s0 =	simm.s32 @p1 $0x1  }
0x15: {  	[smem:$0x3FA6] =	sst s0;
	s0 =	simm.s32 @!p2 $0x0  }
0x16: {  	s3 =	sld [smem:$0x3FDB];
	s0 =	simm.s32 @p2 $0x1  }
0x17: {  	s4 =	simm.s32 $0x1BF5;
	[smem:$0x3FA8] =	sst s0  }
0x18: {  	s0 =	sld [smem:$0x3F8B];
	_ =	swait.ge [sflag:s4], $0x0  }
0x19: {  	s7 =	sld [smem:$0x3F8C]  }
0x1a: {  	s8 =	sadd.s32 $0xFFFFE003, lr  }
0x1b: {  	s9 =	sadd.s32 $0xFFFFFEF7, lr;
	s5 =	simm.s32 $0xFFFFFFFF;
	p2 =	slt.u32 s8, $0xFFFFF086  }
0x1c: {  	p1 =	slt.u32 s9, $0xF7A;
	s5 =	simm.s32 @!p2 $0x0  }
0x1d: {  	s5 =	simm.s32 @p1 $0x1;
	p0 =	seq.s32 s7, s2  }
0x1e: {  	s7 =	smul.u32 @!p0 $0xF7A, s2;
	p2 =	seq.s32 @!p0 s5, $0x0  }
0x1f: {  	s9 =	smul.u32 $0xF7A, s1;
	s8 =	simm.s32 @!p0 $0x1BF5;
	p2 =	por !p2, p0  }
0x20: {  	[sflag:s8] =	ssyncset.s32 @!p0 $0xFFFFF086;
	s6 =	sadd.s32 @!p0 s3, s7;
	s7 =	simm.s32 @!p0 $0x108  }
0x21: {  	s3 =	sadd.s32 s3, s9;
	s6 =	sadd.s32 @!p0 $0x88, s6;
	s7 =	simm.s32 @p2 $0x1082  }
0x22: {  	[simem:s7], [sflag:s8] =	dma.local @!p0 [hbm:s6], $0xF7A  }
0x23: {  	s9 =	sor.u32 $0xD0000000, s2;
	s6 =	simm.s32 $0x108;
	_ =	swait.ge @!p0 [sflag:s8], $0x0  }
0x24: {  	s3 =	sadd.s32 $0x88, s3;
	s6 =	simm.s32 @!p1 $0x1082;
	[sflag:s4] =	ssyncset.s32 $0xFFFFF086  }
0x25: {  	[simem:s6], [sflag:s4] =	dma.local [hbm:s3], $0xF7A  }
0x26: {  	[smem:$0x3F8C] =	sst s1;
	(tag) =	ssettag s2;
	_ =	strace s9  }
0x27: {  	s1 =	sld [smem:$0x3F9C]  }
0x28: {  	s2 =	sld [smem:$0x3F9D]  }
0x29: {  	s4 =	sld [smem:$0x3F9F]  }
0x2a: {  	p0 =	seq.s32 s5, $0x0;
	s5 =	sld [smem:$0x3FA0]  }
0x2b: {  	s6 =	sld [smem:$0x3FA1]  }
0x2c: {  	s7 =	sld [smem:$0x3FA2]  }
0x2d: {  	s3 =	simm.s32 $0x108;
	s8 =	sld [smem:$0x3FA3]  }
0x2e: {  	s3 =	simm.s32 @!p0 $0x1082;
	s9 =	sld [smem:$0x3FA4]  }
0x2f: {  	lr =	sadd.s32 s0, s3;
	s0 =	sld [smem:$0x3F9B]  }
0x30: {  	s3 =	sld [smem:$0x3F9E]  }
0x31: {  	[smem:$0x3FA7] =	sst s10  }
0x32: {  	s10 =	sld [smem:$0x3FA5];
	_ =	sdelay $0x3  }
0x33: {  	p0 =	seq.s32 s10, $0x1;
	s10 =	sld [smem:$0x3FA7];
	_ =	sdelay $0x3  }
0x34: {  	[smem:$0x3FA7] =	sst s10  }
0x35: {  	s10 =	sld [smem:$0x3FA6];
	_ =	sdelay $0x3  }
0x36: {  	p1 =	seq.s32 s10, $0x1;
	s10 =	sld [smem:$0x3FA7];
	_ =	sdelay $0x3  }
0x37: {  	[smem:$0x3FA7] =	sst s10  }
0x38: {  	s10 =	sld [smem:$0x3FA8]  }
0x39: {  	_ = 	snop;
	(pc) =	sbr.ind lr, $3  }
0x3a: {  	_ = 	snop  }
0x3b: {  	_ = 	snop  }
0x3c: {  	p2 =	seq.s32 s10, $0x1;
	s10 =	sld [smem:$0x3FA7]  }
0x3d: {  	_ =	shalt  }
0x3e: {  	_ =	shalt  }
0x3f: {  	_ =	shalt  }
0x40: {  	_ =	shalt  }
0x41: {  	_ =	shalt  }
0x42: {  	_ =	shalt  }
0x43: {  	_ =	shalt  }
0x44: {  	_ =	shalt  }
0x45: {  	_ =	shalt  }
0x46: {  	_ =	shalt  }
0x47: {  	_ =	shalt  }
0x48: {  	_ =	shalt  }
0x49: {  	_ =	shalt  }
0x4a: {  	_ =	shalt  }
0x4b: {  	_ =	shalt  }
0x4c: {  	_ =	shalt  }
0x4d: {  	_ =	shalt  }
0x4e: {  	_ =	shalt  }
0x4f: {  	_ =	shalt  }
0x50: {  	_ =	shalt  }
0x51: {  	_ =	shalt  }
0x52: {  	_ =	shalt  }
0x53: {  	_ =	shalt  }
0x54: {  	_ =	shalt  }
0x55: {  	_ =	shalt  }
0x56: {  	_ =	shalt  }
0x57: {  	_ =	shalt  }
0x58: {  	_ =	shalt  }
0x59: {  	_ =	shalt  }
0x5a: {  	_ =	shalt  }
0x5b: {  	_ =	shalt  }
0x5c: {  	_ =	shalt  }
0x5d: {  	_ =	shalt  }
0x5e: {  	_ =	shalt  }
0x5f: {  	_ =	shalt  }
0x60: {  	_ =	shalt  }
0x61: {  	_ =	shalt  }
0x62: {  	_ =	shalt  }
0x63: {  	_ =	shalt  }
0x64: {  	_ =	shalt  }
0x65: {  	_ =	shalt  }
0x66: {  	_ =	shalt  }
0x67: {  	_ =	shalt  }
0x68: {  	_ =	shalt  }
0x69: {  	_ =	shalt  }
0x6a: {  	_ =	shalt  }
0x6b: {  	_ =	shalt  }
0x6c: {  	_ =	shalt  }
0x6d: {  	_ =	shalt  }
0x6e: {  	_ =	shalt  }
0x6f: {  	_ =	shalt  }
0x70: {  	_ =	shalt  }
0x71: {  	_ =	shalt  }
0x72: {  	_ =	shalt  }
0x73: {  	_ =	shalt  }
0x74: {  	_ =	shalt  }
0x75: {  	_ =	shalt  }
0x76: {  	_ =	shalt  }
0x77: {  	_ =	shalt  }
0x78: {  	_ =	shalt  }
0x79: {  	_ =	shalt  }
0x7a: {  	_ =	shalt  }
0x7b: {  	_ =	shalt  }
0x7c: {  	_ =	shalt  }
0x7d: {  	_ =	shalt  }
0x7e: {  	_ =	shalt  }
0x7f: {  	_ =	shalt  }
0x80: {  	_ =	shalt  }
0x81: {  	_ =	shalt  }
0x82: {  	_ =	shalt  }
0x83: {  	_ =	shalt  }
0x84: {  	_ =	shalt  }
0x85: {  	_ =	shalt  }
0x86: {  	_ =	shalt  }
0x87: {  	_ =	shalt  }
.Lfunc_end0:
.L_simem_size_0:
called_computation.1_lowered:
.L_overlay_start_0:
0x88: {  	s2 =	sld [smem:$0x3FD9]  }
0x89: {  	s3 =	sld [smem:$0x3FFE];
	_ =	sdelay $0x1  }
0x8a: {  	s1 =	srdreg.scid  }
0x8b: {  	s0 =	sand.u32 $0x1, s1  }
0x8c: {  	s16 =	sshll.u32 s0, $0xA;
	s2 =	sadd.s32 s3, s2  }
0x8d: {  	s2 =	sadd.s32 s2, s16  }
0x8e: {  	[smem:$0x3FB3] =	sst s2  }
0x8f: {  	_ = 	snop  }
0x90: {  	(tm) =	ssettm $0x1  }
0x91: {  	s17 =	sld [smem:$0x3FFB];
	_ =	sdelay $0x3  }
0x92: {  	_ =	strace s17  }
0x93: {  	s2 =	sld [smem:$0x3FFC];
	_ =	sdelay $0x3  }
0x94: {  	_ =	strace s2  }
0x95: {  	s2 =	sld [smem:$0x3FFD];
	_ =	sdelay $0x3  }
0x96: {  	_ =	strace s2  }
0x97: {  	_ =	strace $0x8FFFFFFF  }
0x98: {  	s18 =	sld [smem:$0x3FDB];
	_ =	sdelay $0x1  }
0x99: {  	s19 =	simm.s32 $_scs_section_size  }
0x9a: {  	s4 =	simm.s32 $_size__tile_overlayer_lowered;
	s5 =	simm.s32 $_tile_overlayer_lowered  }
0x9b: {  	s22 =	simm.s32 $0x1BFF;
	s21 =	sshll.u32 s5, $0x1;
	s2 =	sadd.s32 s19, s18  }
0x9c: {  	s6 =	simm.s32 $0x0;
	s20 =	sshll.u32 s4, $0x1;
	s4 =	sadd.s32 s21, s2  }
0x9d: {  	[timem:s6], [sflag:s22] =	dma.local [hbm:s4], s20  }
0x9e: {  	_ =	swait.ge [sflag:s22], s20  }
0x9f: {  	s3 =	ssub.s32 $0x0, s20;
	[sflag:s22] =	ssyncset.done $0x0  }
0xa0: {  	[sflag:s22] =	ssyncadd.s32 s3;
	_ =	sdelay $0x1  }
0xa1: {  	s23 =	simm.s32 $0x1B8B  }
0xa2: {  	_ =	swait.ge [sflag:s23], $0x1  }
0xa3: {  	[sflag:s23] =	ssyncset.done $0x0  }
0xa4: {  	s25 =	simm.s32 $0x1B8E;
	s24 =	sld [smem:$0x3FFE];
	[sflag:s23] =	ssyncadd.s32 $0xFFFFFFFF  }
0xa5: {  	s26 =	simm.s32 $execute0_lowered;
	[smem:$0x3FD2] =	sst s25  }
0xa6: {  	s4 =	sshll.u32 s26, $0x1;
	_ =	strace $0x80000049;
	[dreg:$0x1] =	wrdreg $0xFFFFFFFF  }
0xa7: {  	s28 =	simm.s32 $_size_execute0_lowered;
	s2 =	sadd.s32 s2, s4;
	[dreg:$0x0] =	wrdreg $0x0  }
0xa8: {  	s4 =	sshll.u32 s28, $0x1;
	[dreg:$0x2] =	wrdreg s2  }
0xa9: {  	[dreg:$0x3] =	wrdreg s4  }
0xaa: {  	[dreg:$0x4] =	wrdreg $0xC0  }
0xab: {  	_ =	task [dreg:s6], $0x5FFFF  }
0xac: {  	[dreg:$0x1] =	wrdreg $0xFFFFFFFF  }
0xad: {  	[dreg:$0x0] =	wrdreg $0x60  }
0xae: {  	[dreg:$0x2] =	wrdreg s24  }
0xaf: {  	[dreg:$0x3] =	wrdreg $0x69000  }
0xb0: {  	[dreg:$0x4] =	wrdreg $0x9  }
0xb1: {  	_ =	task.clear_ibuf [dreg:s6], $0x5FFFF;
	_ =	strace $0x90000049  }
0xb2: {  	s29 =	simm.s32 $0x9;
	_ =	strace $0x8000004B  }
0xb3: {  	_ =	swait.ge [sflag:s29], $0x1  }
0xb4: {  	[sflag:s29] =	ssyncadd.s32 $0xFFFFFFFF  }
0xb5: {  	_ =	strace $0x9000004B  }
0xb6: {  	_ =	sfence  }
0xb7: {  	s30 =	sld [smem:$0x0];
	_ =	sdelay $0x2  }
0xb8: {  	s31 =	sshll.u32 s1, $0xD;
	s1 =	sshrl.u32 s1, $0x2  }
0xb9: {  	s3 =	sand.u32 $0x4000, s31;
	s1 =	sadd.s32 s1, s30  }
0xba: {  	s0 =	sor.u32 s3, s0;
	s1 =	sshll.u32 s1, $0x11  }
0xbb: {  	s0 =	sor.u32 s1, s0  }
0xbc: {  	s0 =	sadd.s32 $0x8F2B, s0  }
0xbd: {  	[sflag:s0] =	ssyncadd.remote.s32 $0x1  }
0xbe: {  	_ =	sfence.sel $0xFFFF  }
0xbf: {  	[dreg:$0x0] =	wrdreg $0xFFFFFFFF;
	(pc) =	sbr.abs _section_cstart, $3  }
0xc0: {  	[dreg:$0x1] =	wrdreg $0xFFFFFFFF  }
0xc1: {  	_ =	task.clear_ibuf [dreg:s6], $0x2FFFF;
	_ =	strace $0x9FFFFFFF  }
0xc2: {  	(tm) =	ssettm $0x7FFFFFFF  }
0xc3: {  	_ =	shalt  }
tec
execute0_lowered:
.L_overlay_start_1:
0x0: {  	(tag) =	ssettag $0x1  }
0x1: {  	s1 =	srdreg.scid  }
0x2: {  	s0 =	stileid.u32;
	s6 =	rddreg [dreg:$0x0]  }
0x3: {  	s2 =	rddreg [dreg:$0x1];
	s3 =	simm.s32 $0x0;
	s15 =	simm.s32 $0x2900  }
0x4: {  	s16 =	simm.s32 $0x2;
	s17 =	simm.s32 $0x80;
	s4 =	smul.u32 $0x4E20, s0  }
0x5: {  	s18 =	simm.s32 $0x50;
	s19 =	simm.s32 $0x100;
	s9 =	smul.u32 $0x13C00, s0  }
0x6: {  	s20 =	simm.s32 $0x1;
	s7 =	sand.u32 $0x1, s1;
	s10 =	smul.u32 $0x4E200, s0  }
0x7: {  	s23 =	simm.s32 $0x0;
	s1 =	rddreg [dreg:$0x2];
	s5 =	smul.u32 $0x2710, s7  }
0x8: {  	[smem:$0x7FF] =	sst s3;
	s21 =	sshll.u32 s0, $0x6;
	s8 =	smul.u32 $0x13C000, s7  }
0x9: {  	_ =	strace $0x8000004A;
	s7 =	ssub.s32 $0x2, s7;
	s21 =	sor.u32 $0x1C02, s21  }
0xa: {  	s31 =	sshrl.u32 s7, $0x1;
	s10 =	sshrl.u32 s10, $0x2;
	s4 =	sadd.s32 s5, s4  }
0xb: {  	s8 =	sadd.s32 s9, s8;
	s12 =	ssub.s32 s7, s31;
	s5 =	sshrl.u32 s4, $0x3  }
0xc: {  	s4 =	sadd.s32 $0x18200, s6;
	s8 =	sshrl.u32 s8, $0x3;
	s14 =	sadd.s32 s5, s6  }
0xd: {  	s5 =	sadd.s32 $0x17A00, s6;
	s11 =	sadd.s32 s8, s6;
	s6 =	sadd.s32 s10, s2  }
0xe: {  	s12 =	smax.u32 s12, $0x1;
	s7 =	sadd.s32 $0x3E80, s6;
	s8 =	sadd.s32 $0x7D00, s6  }
0xf: {  	s9 =	sadd.s32 $0xBB80, s6;
	s10 =	sadd.s32 $0xFA00, s6;
	s11 =	sadd.s32 $0x3F400, s11  }
0x10: {  	s13 =	sadd.s32 $0x3E00, s14;
	s14 =	sadd.s32 $0xDC00, s14;
	s22 =	sshrl.u32 s6, $0x3  }
.LBB2_1:
0x11: {  	[tilespmem:s15], [sflag:$0x2] =	stream.linear.gather [hbm4b:s5+s3], $0x3E80, $0x38;
	[tilespmem:$0x1A180] =	vst v63  }
0x12: {  	_ =	swait.ge [sflag:s16], $0x3E80  }
0x13: {  	[sflag:s16] =	ssyncset.done $0x0  }
0x14: {  	[sflag:s16] =	ssyncadd.s32 $0xFFFFC180  }
0x15: {  	[spmem:s6] =	stream.linear.scatter [tilespmem:s15], [sflag:$0x2], $0x3E80, $0x38;
	[tilespmem:$0x1A180] =	vst v63  }
0x16: {  	_ =	swait.ge [sflag:s16], $0x3E80  }
0x17: {  	[sflag:s16] =	ssyncset.done $0x0  }
0x18: {  	[sflag:s16] =	ssyncadd.s32 $0xFFFFC180  }
0x19: {  	[spmem:s7] =	stream.linear.scatter [tilespmem:s15], [sflag:$0x2], $0x3E80, $0x38;
	[tilespmem:$0x1A180] =	vst v63  }
0x1a: {  	_ =	swait.ge [sflag:s16], $0x3E80  }
0x1b: {  	[sflag:s16] =	ssyncset.done $0x0  }
0x1c: {  	[sflag:s16] =	ssyncadd.s32 $0xFFFFC180  }
0x1d: {  	[spmem:s8] =	stream.linear.scatter [tilespmem:s15], [sflag:$0x2], $0x3E80, $0x38;
	[tilespmem:$0x1A180] =	vst v63  }
0x1e: {  	_ =	swait.ge [sflag:s16], $0x3E80  }
0x1f: {  	[sflag:s16] =	ssyncset.done $0x0  }
0x20: {  	[sflag:s16] =	ssyncadd.s32 $0xFFFFC180  }
0x21: {  	[spmem:s9] =	stream.linear.scatter [tilespmem:s15], [sflag:$0x2], $0x3E80, $0x38;
	[tilespmem:$0x1A180] =	vst v63  }
0x22: {  	_ =	swait.ge [sflag:s16], $0x3E80  }
0x23: {  	[sflag:s16] =	ssyncset.done $0x0  }
0x24: {  	[sflag:s16] =	ssyncadd.s32 $0xFFFFC180  }
0x25: {  	[spmem:s10] =	stream.linear.scatter [tilespmem:s15], [sflag:$0x2], $0x3E80, $0x38;
	[tilespmem:$0x1A180] =	vst v63  }
0x26: {  	_ =	swait.ge [sflag:s16], $0x3E80  }
0x27: {  	[sflag:s16] =	ssyncset.done $0x0  }
0x28: {  	[sflag:s16] =	ssyncadd.s32 $0xFFFFC180  }
0x29: {  	s24 =	sadd.s32 $0x0, s14;
	[bflag:$0x0] =	sbarrier.arrive $0xFFFF  }
0x2a: {  	[tilespmem:s3], [sflag:$0x2] =	stream.linear.gather [hbm4b:s24+s3], $0x50, $0x38;
	[tilespmem:$0x1A180] =	vst v63  }
0x2b: {  	_ =	swait.ge [sflag:s16], $0x50  }
0x2c: {  	[sflag:s16] =	ssyncset.done $0x0  }
0x2d: {  	s31 =	sadd.s32 $0x0, s13;
	[sflag:s16] =	ssyncadd.s32 $0xFFFFFFB0  }
0x2e: {  	[tilespmem:s17], [sflag:$0x2] =	stream.linear.gather [hbm4b:s31+s3], $0x50, $0x38;
	[tilespmem:$0x1A180] =	vst v63  }
0x2f: {  	_ =	swait.ge [sflag:s16], $0x50  }
0x30: {  	[sflag:s16] =	ssyncset.done $0x0  }
0x31: {  	[sflag:s16] =	ssyncadd.s32 $0xFFFFFFB0  }
0x32: {  	[tilespmem:s19], [sflag:$0x1] =	stream.indirect.gather [hbm4b:s4+s18], $0x80, s3, s18, $0xb8;
	[tilespmem:$0x1A180] =	vst v63  }
0x33: {  	_ =	swait.ge [sflag:s20], $0x2800  }
0x34: {  	[sflag:s20] =	ssyncset.done $0x0  }
0x35: {  	[sflag:s20] =	ssyncadd.s32 $0xFFFFD800  }
0x36: {  	[spmem:s2] =	stream.indirect.scatter.add.f32 [tilespmem:s19], [sflag:$0x2], $0x80, s17, s18, $0xb8;
	[tilespmem:$0x1A180] =	vst v63  }
0x37: {  	_ =	swait.ge [sflag:s16], $0x2800  }
0x38: {  	s25 =	simm.s32 $0x14;
	s24 =	simm.s32 $0xA;
	[sflag:s16] =	ssyncset.done $0x0  }
.LBB2_2:
0x39: {  	s26 =	sadd.s32 s24, s14  }
0x3a: {  	[sflag:s16] =	ssyncadd.s32 $0xFFFFD800;
	s28 =	smov.u32 s25;
	s29 =	sadd.s32 $0xA, s25  }
0x3b: {  	[tilespmem:s3], [sflag:$0x2] =	stream.linear.gather [hbm4b:s26+s3], $0x50, $0x38;
	[tilespmem:$0x1A180] =	vst v63  }
0x3c: {  	p0 =	sne.s32 s25, $0x4D8;
	_ =	swait.ge [sflag:s16], $0x50  }
0x3d: {  	[sflag:s16] =	ssyncset.done $0x0  }
0x3e: {  	s25 =	sadd.s32 s24, s13;
	s24 =	smov.u32 s28;
	[sflag:s16] =	ssyncadd.s32 $0xFFFFFFB0  }
0x3f: {  	[tilespmem:s17], [sflag:$0x2] =	stream.linear.gather [hbm4b:s25+s3], $0x50, $0x38;
	[tilespmem:$0x1A180] =	vst v63  }
0x40: {  	_ =	swait.ge [sflag:s16], $0x50  }
0x41: {  	[sflag:s16] =	ssyncset.done $0x0  }
0x42: {  	[sflag:s16] =	ssyncadd.s32 $0xFFFFFFB0  }
0x43: {  	[tilespmem:s19], [sflag:$0x1] =	stream.indirect.gather [hbm4b:s4+s18], $0x80, s3, s18, $0xb8;
	[tilespmem:$0x1A180] =	vst v63  }
0x44: {  	_ =	swait.ge [sflag:s20], $0x2800  }
.Ltmp0:
0x45: {  	[sflag:s20] =	ssyncset.done $0x0;
	(pc) =	sbr.rel @p0 .LBB2_2-.Ltmp0, $4  }
0x46: {  	[sflag:s20] =	ssyncadd.s32 $0xFFFFD800  }
0x47: {  	[spmem:s2] =	stream.indirect.scatter.add.f32 [tilespmem:s19], [sflag:$0x2], $0x80, s17, s18, $0xb8;
	[tilespmem:$0x1A180] =	vst v63  }
0x48: {  	_ =	swait.ge [sflag:s16], $0x2800  }
0x49: {  	s25 =	smov.u32 s29;
	[sflag:s16] =	ssyncset.done $0x0  }
0x4a: {  	s25 =	sadd.s32 s24, s14;
	[sflag:s16] =	ssyncadd.s32 $0xFFFFD800  }
0x4b: {  	[tilespmem:s3], [sflag:$0x2] =	stream.linear.gather [hbm4b:s25+s3], $0x50, $0x38;
	[tilespmem:$0x1A180] =	vst v63  }
0x4c: {  	_ =	swait.ge [sflag:s16], $0x50  }
0x4d: {  	[sflag:s16] =	ssyncset.done $0x0  }
0x4e: {  	s31 =	sadd.s32 s24, s13;
	[sflag:s16] =	ssyncadd.s32 $0xFFFFFFB0  }
0x4f: {  	[tilespmem:s17], [sflag:$0x2] =	stream.linear.gather [hbm4b:s31+s3], $0x50, $0x38;
	[tilespmem:$0x1A180] =	vst v63  }
0x50: {  	_ =	swait.ge [sflag:s16], $0x50  }
0x51: {  	[sflag:s16] =	ssyncset.done $0x0  }
0x52: {  	[sflag:s16] =	ssyncadd.s32 $0xFFFFFFB0  }
0x53: {  	[tilespmem:s19], [sflag:$0x1] =	stream.indirect.gather [hbm4b:s4+s18], $0x80, s3, s18, $0xb8;
	[tilespmem:$0x1A180] =	vst v63  }
0x54: {  	_ =	swait.ge [sflag:s20], $0x2800  }
0x55: {  	[sflag:s20] =	ssyncset.done $0x0  }
0x56: {  	[sflag:s20] =	ssyncadd.s32 $0xFFFFD800  }
0x57: {  	[spmem:s2] =	stream.indirect.scatter.add.f32 [tilespmem:s19], [sflag:$0x2], $0x80, s17, s18, $0xb8;
	[tilespmem:$0x1A180] =	vst v63  }
0x58: {  	_ =	swait.ge [sflag:s16], $0x2800  }
0x59: {  	s23 =	sadd.s32 $0x1, s23;
	[sflag:s16] =	ssyncset.done $0x0  }
0x5a: {  	p0 =	sne.s32 s23, s12;
	[sflag:s16] =	ssyncadd.s32 $0xFFFFD800  }
.Ltmp1:
0x5b: {  	[bflag:$0x0] =	sbarrier.arrive $0xFFFF;
	(pc) =	sbr.rel @p0 .LBB2_1-.Ltmp1, $4  }
0x5c: {  	[hbm:s11], [sflag:s21] =	dma.local [spmem:s22], $0x2710  }
0x5d: {  	_ =	swait.ge [sflag:s16], $0x2710  }
0x5e: {  	[sflag:s16] =	ssyncset.done $0x0  }
0x5f: {  	[sflag:s16] =	ssyncadd.s32 $0xFFFFD8F0  }
0x60: {  	_ =	sfence.sel $0x180000  }
0x61: {  	[bflag:$0x0] =	sbarrier.arrive $0xFFFF  }
0x62: {  	p0 =	sne.s32 s0, $0x0;
	_ =	strace $0x9000004A  }
0x63: {  	s0 =	sadd.s32 @!p0 $0x100000, s1;
	[bflag:$0x2] =	sbarrier.arrive $0xFFFF  }
0x64: {  	[sflag:s0] =	ssyncadd.tile.s32 @!p0 $0x1;
	_ =	shalt  }
.Lfunc_end2:
_tile_overlayer_lowered:
.L_overlay_start_2:
0x65: {  	(tag) =	ssettag $0x2  }
0x66: {  	s0 =	rddreg [dreg:$0x0];
	s2 =	stileid.u32  }
0x67: {  	s1 =	rddreg [dreg:$0x1];
	p0 =	sne.s32 s2, $0x0  }
0x68: {  	s3 =	rddreg [dreg:$0x2];
	[bflag:$0x3] =	sbarrier.arrive $0xFFFF;
	s2 =	simm.s32 @!p0 $0x1C02  }
0x69: {  	[timem:s3], [sflag:s2] =	dma.local @!p0 [hbm:s0], s1  }
0x6a: {  	s0 =	simm.s32 @!p0 $0x2  }
0x6b: {  	_ =	swait.ge @!p0 [sflag:s0], s1  }
0x6c: {  	s1 =	ssub.s32 @!p0 $0x0, s1;
	[sflag:s0] =	ssyncset.done @!p0 $0x0  }
0x6d: {  	[sflag:s0] =	ssyncadd.s32 @!p0 s1  }
0x6e: {  	[bflag:$0x3] =	sbarrier.arrive $0xFFFF  }
0x6f: {  	_ =	shalt  }

// kernel: kernel.14.cloned.1.call-start
scs
__scs_entry_jumppad:
0x0: {  	(pc) =	sbr.rel $0x88, $3  }
0x1: {  	(tag) =	ssettag $0x0;
	lr =	simm.s32 $0x1  }
0x2: {  	[smem:$0x3F8C] =	sst lr;
	_ =	strace $0xD0000000  }
0x3: {  	_ = 	snop  }
0x4: {  	_ = 	snop  }
0x5: {  	_ = 	snop  }
0x6: {  	_ = 	snop  }
0x7: {  	_ = 	snop  }
__scs_overlays_trampoline_lowered:
0x8: {  	[smem:$0x3F9B] =	sst s0  }
0x9: {  	[smem:$0x3F9C] =	sst s1  }
0xa: {  	[smem:$0x3F9D] =	sst s2  }
0xb: {  	[smem:$0x3F9E] =	sst s3  }
0xc: {  	[smem:$0x3F9F] =	sst s4  }
0xd: {  	[smem:$0x3FA0] =	sst s5  }
0xe: {  	[smem:$0x3FA1] =	sst s6  }
0xf: {  	[smem:$0x3FA2] =	sst s7  }
0x10: {  	[smem:$0x3FA3] =	sst s8  }
0x11: {  	[smem:$0x3FA4] =	sst s9;
	s0 =	simm.s32 @!p0 $0x0  }
0x12: {  	s1 =	sld [smem:$0x3F8A];
	s0 =	simm.s32 @p0 $0x1  }
0x13: {  	[smem:$0x3FA5] =	sst s0;
	s0 =	simm.s32 @!p1 $0x0  }
0x14: {  	s2 =	sld [smem:$0x3F89];
	s0 =	simm.s32 @p1 $0x1  }
0x15: {  	[smem:$0x3FA6] =	sst s0;
	s0 =	simm.s32 @!p2 $0x0  }
0x16: {  	s3 =	sld [smem:$0x3FDB];
	s0 =	simm.s32 @p2 $0x1  }
0x17: {  	s4 =	simm.s32 $0x1BF5;
	[smem:$0x3FA8] =	sst s0  }
0x18: {  	s0 =	sld [smem:$0x3F8B];
	_ =	swait.ge [sflag:s4], $0x0  }
0x19: {  	s7 =	sld [smem:$0x3F8C]  }
0x1a: {  	s8 =	sadd.s32 $0xFFFFE003, lr  }
0x1b: {  	s9 =	sadd.s32 $0xFFFFFEF7, lr;
	s5 =	simm.s32 $0xFFFFFFFF;
	p2 =	slt.u32 s8, $0xFFFFF086  }
0x1c: {  	p1 =	slt.u32 s9, $0xF7A;
	s5 =	simm.s32 @!p2 $0x0  }
0x1d: {  	s5 =	simm.s32 @p1 $0x1;
	p0 =	seq.s32 s7, s2  }
0x1e: {  	s7 =	smul.u32 @!p0 $0xF7A, s2;
	p2 =	seq.s32 @!p0 s5, $0x0  }
0x1f: {  	s9 =	smul.u32 $0xF7A, s1;
	s8 =	simm.s32 @!p0 $0x1BF5;
	p2 =	por !p2, p0  }
0x20: {  	[sflag:s8] =	ssyncset.s32 @!p0 $0xFFFFF086;
	s6 =	sadd.s32 @!p0 s3, s7;
	s7 =	simm.s32 @!p0 $0x108  }
0x21: {  	s3 =	sadd.s32 s3, s9;
	s6 =	sadd.s32 @!p0 $0x88, s6;
	s7 =	simm.s32 @p2 $0x1082  }
0x22: {  	[simem:s7], [sflag:s8] =	dma.local @!p0 [hbm:s6], $0xF7A  }
0x23: {  	s9 =	sor.u32 $0xD0000000, s2;
	s6 =	simm.s32 $0x108;
	_ =	swait.ge @!p0 [sflag:s8], $0x0  }
0x24: {  	s3 =	sadd.s32 $0x88, s3;
	s6 =	simm.s32 @!p1 $0x1082;
	[sflag:s4] =	ssyncset.s32 $0xFFFFF086  }
0x25: {  	[simem:s6], [sflag:s4] =	dma.local [hbm:s3], $0xF7A  }
0x26: {  	[smem:$0x3F8C] =	sst s1;
	(tag) =	ssettag s2;
	_ =	strace s9  }
0x27: {  	s1 =	sld [smem:$0x3F9C]  }
0x28: {  	s2 =	sld [smem:$0x3F9D]  }
0x29: {  	s4 =	sld [smem:$0x3F9F]  }
0x2a: {  	p0 =	seq.s32 s5, $0x0;
	s5 =	sld [smem:$0x3FA0]  }
0x2b: {  	s6 =	sld [smem:$0x3FA1]  }
0x2c: {  	s7 =	sld [smem:$0x3FA2]  }
0x2d: {  	s3 =	simm.s32 $0x108;
	s8 =	sld [smem:$0x3FA3]  }
0x2e: {  	s3 =	simm.s32 @!p0 $0x1082;
	s9 =	sld [smem:$0x3FA4]  }
0x2f: {  	lr =	sadd.s32 s0, s3;
	s0 =	sld [smem:$0x3F9B]  }
0x30: {  	s3 =	sld [smem:$0x3F9E]  }
0x31: {  	[smem:$0x3FA7] =	sst s10  }
0x32: {  	s10 =	sld [smem:$0x3FA5];
	_ =	sdelay $0x3  }
0x33: {  	p0 =	seq.s32 s10, $0x1;
	s10 =	sld [smem:$0x3FA7];
	_ =	sdelay $0x3  }
0x34: {  	[smem:$0x3FA7] =	sst s10  }
0x35: {  	s10 =	sld [smem:$0x3FA6];
	_ =	sdelay $0x3  }
0x36: {  	p1 =	seq.s32 s10, $0x1;
	s10 =	sld [smem:$0x3FA7];
	_ =	sdelay $0x3  }
0x37: {  	[smem:$0x3FA7] =	sst s10  }
0x38: {  	s10 =	sld [smem:$0x3FA8]  }
0x39: {  	_ = 	snop;
	(pc) =	sbr.ind lr, $3  }
0x3a: {  	_ = 	snop  }
0x3b: {  	_ = 	snop  }
0x3c: {  	p2 =	seq.s32 s10, $0x1;
	s10 =	sld [smem:$0x3FA7]  }
0x3d: {  	_ =	shalt  }
0x3e: {  	_ =	shalt  }
0x3f: {  	_ =	shalt  }
0x40: {  	_ =	shalt  }
0x41: {  	_ =	shalt  }
0x42: {  	_ =	shalt  }
0x43: {  	_ =	shalt  }
0x44: {  	_ =	shalt  }
0x45: {  	_ =	shalt  }
0x46: {  	_ =	shalt  }
0x47: {  	_ =	shalt  }
0x48: {  	_ =	shalt  }
0x49: {  	_ =	shalt  }
0x4a: {  	_ =	shalt  }
0x4b: {  	_ =	shalt  }
0x4c: {  	_ =	shalt  }
0x4d: {  	_ =	shalt  }
0x4e: {  	_ =	shalt  }
0x4f: {  	_ =	shalt  }
0x50: {  	_ =	shalt  }
0x51: {  	_ =	shalt  }
0x52: {  	_ =	shalt  }
0x53: {  	_ =	shalt  }
0x54: {  	_ =	shalt  }
0x55: {  	_ =	shalt  }
0x56: {  	_ =	shalt  }
0x57: {  	_ =	shalt  }
0x58: {  	_ =	shalt  }
0x59: {  	_ =	shalt  }
0x5a: {  	_ =	shalt  }
0x5b: {  	_ =	shalt  }
0x5c: {  	_ =	shalt  }
0x5d: {  	_ =	shalt  }
0x5e: {  	_ =	shalt  }
0x5f: {  	_ =	shalt  }
0x60: {  	_ =	shalt  }
0x61: {  	_ =	shalt  }
0x62: {  	_ =	shalt  }
0x63: {  	_ =	shalt  }
0x64: {  	_ =	shalt  }
0x65: {  	_ =	shalt  }
0x66: {  	_ =	shalt  }
0x67: {  	_ =	shalt  }
0x68: {  	_ =	shalt  }
0x69: {  	_ =	shalt  }
0x6a: {  	_ =	shalt  }
0x6b: {  	_ =	shalt  }
0x6c: {  	_ =	shalt  }
0x6d: {  	_ =	shalt  }
0x6e: {  	_ =	shalt  }
0x6f: {  	_ =	shalt  }
0x70: {  	_ =	shalt  }
0x71: {  	_ =	shalt  }
0x72: {  	_ =	shalt  }
0x73: {  	_ =	shalt  }
0x74: {  	_ =	shalt  }
0x75: {  	_ =	shalt  }
0x76: {  	_ =	shalt  }
0x77: {  	_ =	shalt  }
0x78: {  	_ =	shalt  }
0x79: {  	_ =	shalt  }
0x7a: {  	_ =	shalt  }
0x7b: {  	_ =	shalt  }
0x7c: {  	_ =	shalt  }
0x7d: {  	_ =	shalt  }
0x7e: {  	_ =	shalt  }
0x7f: {  	_ =	shalt  }
0x80: {  	_ =	shalt  }
0x81: {  	_ =	shalt  }
0x82: {  	_ =	shalt  }
0x83: {  	_ =	shalt  }
0x84: {  	_ =	shalt  }
0x85: {  	_ =	shalt  }
0x86: {  	_ =	shalt  }
0x87: {  	_ =	shalt  }
.Lfunc_end0:
.L_simem_size_0:
called_computation.2_lowered:
.L_overlay_start_0:
0x88: {  	s2 =	sld [smem:$0x3FD9]  }
0x89: {  	s3 =	sld [smem:$0x3FFE];
	_ =	sdelay $0x1  }
0x8a: {  	s1 =	srdreg.scid  }
0x8b: {  	s0 =	sand.u32 $0x1, s1  }
0x8c: {  	s16 =	sshll.u32 s0, $0xA;
	s2 =	sadd.s32 s3, s2  }
0x8d: {  	s2 =	sadd.s32 s2, s16  }
0x8e: {  	[smem:$0x3FB3] =	sst s2  }
0x8f: {  	_ = 	snop  }
0x90: {  	(tm) =	ssettm $0x1  }
0x91: {  	s17 =	sld [smem:$0x3FFB];
	_ =	sdelay $0x3  }
0x92: {  	_ =	strace s17  }
0x93: {  	s2 =	sld [smem:$0x3FFC];
	_ =	sdelay $0x3  }
0x94: {  	_ =	strace s2  }
0x95: {  	s2 =	sld [smem:$0x3FFD];
	_ =	sdelay $0x3  }
0x96: {  	_ =	strace s2  }
0x97: {  	_ =	strace $0x8FFFFFFF  }
0x98: {  	s18 =	sld [smem:$0x3FDB];
	_ =	sdelay $0x1  }
0x99: {  	s19 =	simm.s32 $_scs_section_size  }
0x9a: {  	s4 =	simm.s32 $_size__tile_overlayer_lowered;
	s5 =	simm.s32 $_tile_overlayer_lowered  }
0x9b: {  	s22 =	simm.s32 $0x1BFF;
	s21 =	sshll.u32 s5, $0x1;
	s2 =	sadd.s32 s19, s18  }
0x9c: {  	s6 =	simm.s32 $0x0;
	s20 =	sshll.u32 s4, $0x1;
	s4 =	sadd.s32 s21, s2  }
0x9d: {  	[timem:s6], [sflag:s22] =	dma.local [hbm:s4], s20  }
0x9e: {  	_ =	swait.ge [sflag:s22], s20  }
0x9f: {  	s3 =	ssub.s32 $0x0, s20;
	[sflag:s22] =	ssyncset.done $0x0  }
0xa0: {  	[sflag:s22] =	ssyncadd.s32 s3;
	_ =	sdelay $0x1  }
0xa1: {  	s23 =	simm.s32 $0x1B8B  }
0xa2: {  	_ =	swait.ge [sflag:s23], $0x1  }
0xa3: {  	[sflag:s23] =	ssyncset.done $0x0  }
0xa4: {  	s25 =	simm.s32 $0x1B8E;
	s24 =	sld [smem:$0x3FFE];
	[sflag:s23] =	ssyncadd.s32 $0xFFFFFFFF  }
0xa5: {  	s26 =	simm.s32 $execute0_lowered;
	[smem:$0x3FD2] =	sst s25  }
0xa6: {  	s4 =	sshll.u32 s26, $0x1;
	_ =	strace $0x8000004C;
	[dreg:$0x1] =	wrdreg $0xFFFFFFFF  }
0xa7: {  	s28 =	simm.s32 $_size_execute0_lowered;
	s2 =	sadd.s32 s2, s4;
	[dreg:$0x0] =	wrdreg $0x0  }
0xa8: {  	s4 =	sshll.u32 s28, $0x1;
	[dreg:$0x2] =	wrdreg s2  }
0xa9: {  	[dreg:$0x3] =	wrdreg s4  }
0xaa: {  	[dreg:$0x4] =	wrdreg $0xC0  }
0xab: {  	_ =	task [dreg:s6], $0x5FFFF  }
0xac: {  	[dreg:$0x1] =	wrdreg $0xFFFFFFFF  }
0xad: {  	[dreg:$0x0] =	wrdreg $0x60  }
0xae: {  	[dreg:$0x2] =	wrdreg s24  }
0xaf: {  	[dreg:$0x3] =	wrdreg $0x69000  }
0xb0: {  	[dreg:$0x4] =	wrdreg $0x9  }
0xb1: {  	_ =	task.clear_ibuf [dreg:s6], $0x5FFFF;
	_ =	strace $0x9000004C  }
0xb2: {  	s29 =	simm.s32 $0x9;
	_ =	strace $0x8000004E  }
0xb3: {  	_ =	swait.ge [sflag:s29], $0x1  }
0xb4: {  	[sflag:s29] =	ssyncadd.s32 $0xFFFFFFFF  }
0xb5: {  	_ =	strace $0x9000004E  }
0xb6: {  	_ =	sfence  }
0xb7: {  	s30 =	sld [smem:$0x0];
	_ =	sdelay $0x2  }
0xb8: {  	s31 =	sshll.u32 s1, $0xD;
	s1 =	sshrl.u32 s1, $0x2  }
0xb9: {  	s3 =	sand.u32 $0x4000, s31;
	s1 =	sadd.s32 s1, s30  }
0xba: {  	s0 =	sor.u32 s3, s0;
	s1 =	sshll.u32 s1, $0x11  }
0xbb: {  	s0 =	sor.u32 s1, s0  }
0xbc: {  	s0 =	sadd.s32 $0x8F2B, s0  }
0xbd: {  	[sflag:s0] =	ssyncadd.remote.s32 $0x1  }
0xbe: {  	_ =	sfence.sel $0xFFFF  }
0xbf: {  	[dreg:$0x0] =	wrdreg $0xFFFFFFFF;
	(pc) =	sbr.abs _section_cstart, $3  }
0xc0: {  	[dreg:$0x1] =	wrdreg $0xFFFFFFFF  }
0xc1: {  	_ =	task.clear_ibuf [dreg:s6], $0x2FFFF;
	_ =	strace $0x9FFFFFFF  }
0xc2: {  	(tm) =	ssettm $0x7FFFFFFF  }
0xc3: {  	_ =	shalt  }
tec
execute0_lowered:
.L_overlay_start_1:
0x0: {  	(tag) =	ssettag $0x1  }
0x1: {  	s1 =	srdreg.scid  }
0x2: {  	s0 =	stileid.u32;
	s6 =	rddreg [dreg:$0x0]  }
0x3: {  	s2 =	rddreg [dreg:$0x1];
	s3 =	simm.s32 $0x0;
	s15 =	simm.s32 $0x2900  }
0x4: {  	s16 =	simm.s32 $0x2;
	s17 =	simm.s32 $0x80;
	s4 =	smul.u32 $0x4E20, s0  }
0x5: {  	s18 =	simm.s32 $0x50;
	s19 =	simm.s32 $0x100;
	s9 =	smul.u32 $0x13C00, s0  }
0x6: {  	s20 =	simm.s32 $0x1;
	s7 =	sand.u32 $0x1, s1;
	s10 =	smul.u32 $0x4E200, s0  }
0x7: {  	s23 =	simm.s32 $0x0;
	s1 =	rddreg [dreg:$0x2];
	s5 =	smul.u32 $0x2710, s7  }
0x8: {  	[smem:$0x7FF] =	sst s3;
	s21 =	sshll.u32 s0, $0x6;
	s8 =	smul.u32 $0x13C000, s7  }
0x9: {  	_ =	strace $0x8000004D;
	s7 =	ssub.s32 $0x2, s7;
	s21 =	sor.u32 $0x1C02, s21  }
0xa: {  	s31 =	sshrl.u32 s7, $0x1;
	s10 =	sshrl.u32 s10, $0x2;
	s4 =	sadd.s32 s5, s4  }
0xb: {  	s8 =	sadd.s32 s9, s8;
	s12 =	ssub.s32 s7, s31;
	s5 =	sshrl.u32 s4, $0x3  }
0xc: {  	s4 =	sadd.s32 $0x18200, s6;
	s8 =	sshrl.u32 s8, $0x3;
	s14 =	sadd.s32 s5, s6  }
0xd: {  	s5 =	sadd.s32 $0x17A00, s6;
	s11 =	sadd.s32 s8, s6;
	s6 =	sadd.s32 s10, s2  }
0xe: {  	s12 =	smax.u32 s12, $0x1;
	s7 =	sadd.s32 $0x3E80, s6;
	s8 =	sadd.s32 $0x7D00, s6  }
0xf: {  	s9 =	sadd.s32 $0xBB80, s6;
	s10 =	sadd.s32 $0xFA00, s6;
	s11 =	sadd.s32 $0x3F400, s11  }
0x10: {  	s13 =	sadd.s32 $0x3E00, s14;
	s14 =	sadd.s32 $0xDC00, s14;
	s22 =	sshrl.u32 s6, $0x3  }
.LBB2_1:
0x11: {  	[tilespmem:s15], [sflag:$0x2] =	stream.linear.gather [hbm4b:s5+s3], $0x3E80, $0x38;
	[tilespmem:$0x1A180] =	vst v63  }
0x12: {  	_ =	swait.ge [sflag:s16], $0x3E80  }
0x13: {  	[sflag:s16] =	ssyncset.done $0x0  }
0x14: {  	[sflag:s16] =	ssyncadd.s32 $0xFFFFC180  }
0x15: {  	[spmem:s6] =	stream.linear.scatter [tilespmem:s15], [sflag:$0x2], $0x3E80, $0x38;
	[tilespmem:$0x1A180] =	vst v63  }
0x16: {  	_ =	swait.ge [sflag:s16], $0x3E80  }
0x17: {  	[sflag:s16] =	ssyncset.done $0x0  }
0x18: {  	[sflag:s16] =	ssyncadd.s32 $0xFFFFC180  }
0x19: {  	[spmem:s7] =	stream.linear.scatter [tilespmem:s15], [sflag:$0x2], $0x3E80, $0x38;
	[tilespmem:$0x1A180] =	vst v63  }
0x1a: {  	_ =	swait.ge [sflag:s16], $0x3E80  }
0x1b: {  	[sflag:s16] =	ssyncset.done $0x0  }
0x1c: {  	[sflag:s16] =	ssyncadd.s32 $0xFFFFC180  }
0x1d: {  	[spmem:s8] =	stream.linear.scatter [tilespmem:s15], [sflag:$0x2], $0x3E80, $0x38;
	[tilespmem:$0x1A180] =	vst v63  }
0x1e: {  	_ =	swait.ge [sflag:s16], $0x3E80  }
0x1f: {  	[sflag:s16] =	ssyncset.done $0x0  }
0x20: {  	[sflag:s16] =	ssyncadd.s32 $0xFFFFC180  }
0x21: {  	[spmem:s9] =	stream.linear.scatter [tilespmem:s15], [sflag:$0x2], $0x3E80, $0x38;
	[tilespmem:$0x1A180] =	vst v63  }
0x22: {  	_ =	swait.ge [sflag:s16], $0x3E80  }
0x23: {  	[sflag:s16] =	ssyncset.done $0x0  }
0x24: {  	[sflag:s16] =	ssyncadd.s32 $0xFFFFC180  }
0x25: {  	[spmem:s10] =	stream.linear.scatter [tilespmem:s15], [sflag:$0x2], $0x3E80, $0x38;
	[tilespmem:$0x1A180] =	vst v63  }
0x26: {  	_ =	swait.ge [sflag:s16], $0x3E80  }
0x27: {  	[sflag:s16] =	ssyncset.done $0x0  }
0x28: {  	[sflag:s16] =	ssyncadd.s32 $0xFFFFC180  }
0x29: {  	s24 =	sadd.s32 $0x0, s14;
	[bflag:$0x0] =	sbarrier.arrive $0xFFFF  }
0x2a: {  	[tilespmem:s3], [sflag:$0x2] =	stream.linear.gather [hbm4b:s24+s3], $0x50, $0x38;
	[tilespmem:$0x1A180] =	vst v63  }
0x2b: {  	_ =	swait.ge [sflag:s16], $0x50  }
0x2c: {  	[sflag:s16] =	ssyncset.done $0x0  }
0x2d: {  	s31 =	sadd.s32 $0x0, s13;
	[sflag:s16] =	ssyncadd.s32 $0xFFFFFFB0  }
0x2e: {  	[tilespmem:s17], [sflag:$0x2] =	stream.linear.gather [hbm4b:s31+s3], $0x50, $0x38;
	[tilespmem:$0x1A180] =	vst v63  }
0x2f: {  	_ =	swait.ge [sflag:s16], $0x50  }
0x30: {  	[sflag:s16] =	ssyncset.done $0x0  }
0x31: {  	[sflag:s16] =	ssyncadd.s32 $0xFFFFFFB0  }
0x32: {  	[tilespmem:s19], [sflag:$0x1] =	stream.indirect.gather [hbm4b:s4+s18], $0x80, s3, s18, $0xb8;
	[tilespmem:$0x1A180] =	vst v63  }
0x33: {  	_ =	swait.ge [sflag:s20], $0x2800  }
0x34: {  	[sflag:s20] =	ssyncset.done $0x0  }
0x35: {  	[sflag:s20] =	ssyncadd.s32 $0xFFFFD800  }
0x36: {  	[spmem:s2] =	stream.indirect.scatter.add.f32 [tilespmem:s19], [sflag:$0x2], $0x80, s17, s18, $0xb8;
	[tilespmem:$0x1A180] =	vst v63  }
0x37: {  	_ =	swait.ge [sflag:s16], $0x2800  }
0x38: {  	s25 =	simm.s32 $0x14;
	s24 =	simm.s32 $0xA;
	[sflag:s16] =	ssyncset.done $0x0  }
.LBB2_2:
0x39: {  	s26 =	sadd.s32 s24, s14  }
0x3a: {  	[sflag:s16] =	ssyncadd.s32 $0xFFFFD800;
	s28 =	smov.u32 s25;
	s29 =	sadd.s32 $0xA, s25  }
0x3b: {  	[tilespmem:s3], [sflag:$0x2] =	stream.linear.gather [hbm4b:s26+s3], $0x50, $0x38;
	[tilespmem:$0x1A180] =	vst v63  }
0x3c: {  	p0 =	sne.s32 s25, $0x4D8;
	_ =	swait.ge [sflag:s16], $0x50  }
0x3d: {  	[sflag:s16] =	ssyncset.done $0x0  }
0x3e: {  	s25 =	sadd.s32 s24, s13;
	s24 =	smov.u32 s28;
	[sflag:s16] =	ssyncadd.s32 $0xFFFFFFB0  }
0x3f: {  	[tilespmem:s17], [sflag:$0x2] =	stream.linear.gather [hbm4b:s25+s3], $0x50, $0x38;
	[tilespmem:$0x1A180] =	vst v63  }
0x40: {  	_ =	swait.ge [sflag:s16], $0x50  }
0x41: {  	[sflag:s16] =	ssyncset.done $0x0  }
0x42: {  	[sflag:s16] =	ssyncadd.s32 $0xFFFFFFB0  }
0x43: {  	[tilespmem:s19], [sflag:$0x1] =	stream.indirect.gather [hbm4b:s4+s18], $0x80, s3, s18, $0xb8;
	[tilespmem:$0x1A180] =	vst v63  }
0x44: {  	_ =	swait.ge [sflag:s20], $0x2800  }
.Ltmp0:
0x45: {  	[sflag:s20] =	ssyncset.done $0x0;
	(pc) =	sbr.rel @p0 .LBB2_2-.Ltmp0, $4  }
0x46: {  	[sflag:s20] =	ssyncadd.s32 $0xFFFFD800  }
0x47: {  	[spmem:s2] =	stream.indirect.scatter.add.f32 [tilespmem:s19], [sflag:$0x2], $0x80, s17, s18, $0xb8;
	[tilespmem:$0x1A180] =	vst v63  }
0x48: {  	_ =	swait.ge [sflag:s16], $0x2800  }
0x49: {  	s25 =	smov.u32 s29;
	[sflag:s16] =	ssyncset.done $0x0  }
0x4a: {  	s25 =	sadd.s32 s24, s14;
	[sflag:s16] =	ssyncadd.s32 $0xFFFFD800  }
0x4b: {  	[tilespmem:s3], [sflag:$0x2] =	stream.linear.gather [hbm4b:s25+s3], $0x50, $0x38;
	[tilespmem:$0x1A180] =	vst v63  }
0x4c: {  	_ =	swait.ge [sflag:s16], $0x50  }
0x4d: {  	[sflag:s16] =	ssyncset.done $0x0  }
0x4e: {  	s31 =	sadd.s32 s24, s13;
	[sflag:s16] =	ssyncadd.s32 $0xFFFFFFB0  }
0x4f: {  	[tilespmem:s17], [sflag:$0x2] =	stream.linear.gather [hbm4b:s31+s3], $0x50, $0x38;
	[tilespmem:$0x1A180] =	vst v63  }
0x50: {  	_ =	swait.ge [sflag:s16], $0x50  }
0x51: {  	[sflag:s16] =	ssyncset.done $0x0  }
0x52: {  	[sflag:s16] =	ssyncadd.s32 $0xFFFFFFB0  }
0x53: {  	[tilespmem:s19], [sflag:$0x1] =	stream.indirect.gather [hbm4b:s4+s18], $0x80, s3, s18, $0xb8;
	[tilespmem:$0x1A180] =	vst v63  }
0x54: {  	_ =	swait.ge [sflag:s20], $0x2800  }
0x55: {  	[sflag:s20] =	ssyncset.done $0x0  }
0x56: {  	[sflag:s20] =	ssyncadd.s32 $0xFFFFD800  }
0x57: {  	[spmem:s2] =	stream.indirect.scatter.add.f32 [tilespmem:s19], [sflag:$0x2], $0x80, s17, s18, $0xb8;
	[tilespmem:$0x1A180] =	vst v63  }
0x58: {  	_ =	swait.ge [sflag:s16], $0x2800  }
0x59: {  	s23 =	sadd.s32 $0x1, s23;
	[sflag:s16] =	ssyncset.done $0x0  }
0x5a: {  	p0 =	sne.s32 s23, s12;
	[sflag:s16] =	ssyncadd.s32 $0xFFFFD800  }
.Ltmp1:
0x5b: {  	[bflag:$0x0] =	sbarrier.arrive $0xFFFF;
	(pc) =	sbr.rel @p0 .LBB2_1-.Ltmp1, $4  }
0x5c: {  	[hbm:s11], [sflag:s21] =	dma.local [spmem:s22], $0x2710  }
0x5d: {  	_ =	swait.ge [sflag:s16], $0x2710  }
0x5e: {  	[sflag:s16] =	ssyncset.done $0x0  }
0x5f: {  	[sflag:s16] =	ssyncadd.s32 $0xFFFFD8F0  }
0x60: {  	_ =	sfence.sel $0x180000  }
0x61: {  	[bflag:$0x0] =	sbarrier.arrive $0xFFFF  }
0x62: {  	p0 =	sne.s32 s0, $0x0;
	_ =	strace $0x9000004D  }
0x63: {  	s0 =	sadd.s32 @!p0 $0x100000, s1;
	[bflag:$0x2] =	sbarrier.arrive $0xFFFF  }
0x64: {  	[sflag:s0] =	ssyncadd.tile.s32 @!p0 $0x1;
	_ =	shalt  }
.Lfunc_end2:
_tile_overlayer_lowered:
.L_overlay_start_2:
0x65: {  	(tag) =	ssettag $0x2  }
0x66: {  	s0 =	rddreg [dreg:$0x0];
	s2 =	stileid.u32  }
0x67: {  	s1 =	rddreg [dreg:$0x1];
	p0 =	sne.s32 s2, $0x0  }
0x68: {  	s3 =	rddreg [dreg:$0x2];
	[bflag:$0x3] =	sbarrier.arrive $0xFFFF;
	s2 =	simm.s32 @!p0 $0x1C02  }
0x69: {  	[timem:s3], [sflag:s2] =	dma.local @!p0 [hbm:s0], s1  }
0x6a: {  	s0 =	simm.s32 @!p0 $0x2  }
0x6b: {  	_ =	swait.ge @!p0 [sflag:s0], s1  }
0x6c: {  	s1 =	ssub.s32 @!p0 $0x0, s1;
	[sflag:s0] =	ssyncset.done @!p0 $0x0  }
0x6d: {  	[sflag:s0] =	ssyncadd.s32 @!p0 s1  }
0x6e: {  	[bflag:$0x3] =	sbarrier.arrive $0xFFFF  }
0x6f: {  	_ =	shalt  }

// kernel: kernel.8.cloned.1.call-start
scs
__scs_entry_jumppad:
0x0: {  	(pc) =	sbr.rel $0x88, $3  }
0x1: {  	(tag) =	ssettag $0x0;
	lr =	simm.s32 $0x1  }
0x2: {  	[smem:$0x3F8C] =	sst lr;
	_ =	strace $0xD0000000  }
0x3: {  	_ = 	snop  }
0x4: {  	_ = 	snop  }
0x5: {  	_ = 	snop  }
0x6: {  	_ = 	snop  }
0x7: {  	_ = 	snop  }
__scs_overlays_trampoline_lowered:
0x8: {  	[smem:$0x3F9B] =	sst s0  }
0x9: {  	[smem:$0x3F9C] =	sst s1  }
0xa: {  	[smem:$0x3F9D] =	sst s2  }
0xb: {  	[smem:$0x3F9E] =	sst s3  }
0xc: {  	[smem:$0x3F9F] =	sst s4  }
0xd: {  	[smem:$0x3FA0] =	sst s5  }
0xe: {  	[smem:$0x3FA1] =	sst s6  }
0xf: {  	[smem:$0x3FA2] =	sst s7  }
0x10: {  	[smem:$0x3FA3] =	sst s8  }
0x11: {  	[smem:$0x3FA4] =	sst s9;
	s0 =	simm.s32 @!p0 $0x0  }
0x12: {  	s1 =	sld [smem:$0x3F8A];
	s0 =	simm.s32 @p0 $0x1  }
0x13: {  	[smem:$0x3FA5] =	sst s0;
	s0 =	simm.s32 @!p1 $0x0  }
0x14: {  	s2 =	sld [smem:$0x3F89];
	s0 =	simm.s32 @p1 $0x1  }
0x15: {  	[smem:$0x3FA6] =	sst s0;
	s0 =	simm.s32 @!p2 $0x0  }
0x16: {  	s3 =	sld [smem:$0x3FDB];
	s0 =	simm.s32 @p2 $0x1  }
0x17: {  	s4 =	simm.s32 $0x1BF5;
	[smem:$0x3FA8] =	sst s0  }
0x18: {  	s0 =	sld [smem:$0x3F8B];
	_ =	swait.ge [sflag:s4], $0x0  }
0x19: {  	s7 =	sld [smem:$0x3F8C]  }
0x1a: {  	s8 =	sadd.s32 $0xFFFFE003, lr  }
0x1b: {  	s9 =	sadd.s32 $0xFFFFFEF7, lr;
	s5 =	simm.s32 $0xFFFFFFFF;
	p2 =	slt.u32 s8, $0xFFFFF086  }
0x1c: {  	p1 =	slt.u32 s9, $0xF7A;
	s5 =	simm.s32 @!p2 $0x0  }
0x1d: {  	s5 =	simm.s32 @p1 $0x1;
	p0 =	seq.s32 s7, s2  }
0x1e: {  	s7 =	smul.u32 @!p0 $0xF7A, s2;
	p2 =	seq.s32 @!p0 s5, $0x0  }
0x1f: {  	s9 =	smul.u32 $0xF7A, s1;
	s8 =	simm.s32 @!p0 $0x1BF5;
	p2 =	por !p2, p0  }
0x20: {  	[sflag:s8] =	ssyncset.s32 @!p0 $0xFFFFF086;
	s6 =	sadd.s32 @!p0 s3, s7;
	s7 =	simm.s32 @!p0 $0x108  }
0x21: {  	s3 =	sadd.s32 s3, s9;
	s6 =	sadd.s32 @!p0 $0x88, s6;
	s7 =	simm.s32 @p2 $0x1082  }
0x22: {  	[simem:s7], [sflag:s8] =	dma.local @!p0 [hbm:s6], $0xF7A  }
0x23: {  	s9 =	sor.u32 $0xD0000000, s2;
	s6 =	simm.s32 $0x108;
	_ =	swait.ge @!p0 [sflag:s8], $0x0  }
0x24: {  	s3 =	sadd.s32 $0x88, s3;
	s6 =	simm.s32 @!p1 $0x1082;
	[sflag:s4] =	ssyncset.s32 $0xFFFFF086  }
0x25: {  	[simem:s6], [sflag:s4] =	dma.local [hbm:s3], $0xF7A  }
0x26: {  	[smem:$0x3F8C] =	sst s1;
	(tag) =	ssettag s2;
	_ =	strace s9  }
0x27: {  	s1 =	sld [smem:$0x3F9C]  }
0x28: {  	s2 =	sld [smem:$0x3F9D]  }
0x29: {  	s4 =	sld [smem:$0x3F9F]  }
0x2a: {  	p0 =	seq.s32 s5, $0x0;
	s5 =	sld [smem:$0x3FA0]  }
0x2b: {  	s6 =	sld [smem:$0x3FA1]  }
0x2c: {  	s7 =	sld [smem:$0x3FA2]  }
0x2d: {  	s3 =	simm.s32 $0x108;
	s8 =	sld [smem:$0x3FA3]  }
0x2e: {  	s3 =	simm.s32 @!p0 $0x1082;
	s9 =	sld [smem:$0x3FA4]  }
0x2f: {  	lr =	sadd.s32 s0, s3;
	s0 =	sld [smem:$0x3F9B]  }
0x30: {  	s3 =	sld [smem:$0x3F9E]  }
0x31: {  	[smem:$0x3FA7] =	sst s10  }
0x32: {  	s10 =	sld [smem:$0x3FA5];
	_ =	sdelay $0x3  }
0x33: {  	p0 =	seq.s32 s10, $0x1;
	s10 =	sld [smem:$0x3FA7];
	_ =	sdelay $0x3  }
0x34: {  	[smem:$0x3FA7] =	sst s10  }
0x35: {  	s10 =	sld [smem:$0x3FA6];
	_ =	sdelay $0x3  }
0x36: {  	p1 =	seq.s32 s10, $0x1;
	s10 =	sld [smem:$0x3FA7];
	_ =	sdelay $0x3  }
0x37: {  	[smem:$0x3FA7] =	sst s10  }
0x38: {  	s10 =	sld [smem:$0x3FA8]  }
0x39: {  	_ = 	snop;
	(pc) =	sbr.ind lr, $3  }
0x3a: {  	_ = 	snop  }
0x3b: {  	_ = 	snop  }
0x3c: {  	p2 =	seq.s32 s10, $0x1;
	s10 =	sld [smem:$0x3FA7]  }
0x3d: {  	_ =	shalt  }
0x3e: {  	_ =	shalt  }
0x3f: {  	_ =	shalt  }
0x40: {  	_ =	shalt  }
0x41: {  	_ =	shalt  }
0x42: {  	_ =	shalt  }
0x43: {  	_ =	shalt  }
0x44: {  	_ =	shalt  }
0x45: {  	_ =	shalt  }
0x46: {  	_ =	shalt  }
0x47: {  	_ =	shalt  }
0x48: {  	_ =	shalt  }
0x49: {  	_ =	shalt  }
0x4a: {  	_ =	shalt  }
0x4b: {  	_ =	shalt  }
0x4c: {  	_ =	shalt  }
0x4d: {  	_ =	shalt  }
0x4e: {  	_ =	shalt  }
0x4f: {  	_ =	shalt  }
0x50: {  	_ =	shalt  }
0x51: {  	_ =	shalt  }
0x52: {  	_ =	shalt  }
0x53: {  	_ =	shalt  }
0x54: {  	_ =	shalt  }
0x55: {  	_ =	shalt  }
0x56: {  	_ =	shalt  }
0x57: {  	_ =	shalt  }
0x58: {  	_ =	shalt  }
0x59: {  	_ =	shalt  }
0x5a: {  	_ =	shalt  }
0x5b: {  	_ =	shalt  }
0x5c: {  	_ =	shalt  }
0x5d: {  	_ =	shalt  }
0x5e: {  	_ =	shalt  }
0x5f: {  	_ =	shalt  }
0x60: {  	_ =	shalt  }
0x61: {  	_ =	shalt  }
0x62: {  	_ =	shalt  }
0x63: {  	_ =	shalt  }
0x64: {  	_ =	shalt  }
0x65: {  	_ =	shalt  }
0x66: {  	_ =	shalt  }
0x67: {  	_ =	shalt  }
0x68: {  	_ =	shalt  }
0x69: {  	_ =	shalt  }
0x6a: {  	_ =	shalt  }
0x6b: {  	_ =	shalt  }
0x6c: {  	_ =	shalt  }
0x6d: {  	_ =	shalt  }
0x6e: {  	_ =	shalt  }
0x6f: {  	_ =	shalt  }
0x70: {  	_ =	shalt  }
0x71: {  	_ =	shalt  }
0x72: {  	_ =	shalt  }
0x73: {  	_ =	shalt  }
0x74: {  	_ =	shalt  }
0x75: {  	_ =	shalt  }
0x76: {  	_ =	shalt  }
0x77: {  	_ =	shalt  }
0x78: {  	_ =	shalt  }
0x79: {  	_ =	shalt  }
0x7a: {  	_ =	shalt  }
0x7b: {  	_ =	shalt  }
0x7c: {  	_ =	shalt  }
0x7d: {  	_ =	shalt  }
0x7e: {  	_ =	shalt  }
0x7f: {  	_ =	shalt  }
0x80: {  	_ =	shalt  }
0x81: {  	_ =	shalt  }
0x82: {  	_ =	shalt  }
0x83: {  	_ =	shalt  }
0x84: {  	_ =	shalt  }
0x85: {  	_ =	shalt  }
0x86: {  	_ =	shalt  }
0x87: {  	_ =	shalt  }
.Lfunc_end0:
.L_simem_size_0:
called_computation_lowered:
.L_overlay_start_0:
0x88: {  	s2 =	sld [smem:$0x3FD9]  }
0x89: {  	s3 =	sld [smem:$0x3FFE];
	_ =	sdelay $0x1  }
0x8a: {  	s1 =	srdreg.scid  }
0x8b: {  	s0 =	sand.u32 $0x1, s1  }
0x8c: {  	s17 =	sshll.u32 s0, $0xA;
	s2 =	sadd.s32 s3, s2  }
0x8d: {  	s2 =	sadd.s32 s2, s17  }
0x8e: {  	[smem:$0x3FB3] =	sst s2  }
0x8f: {  	_ = 	snop  }
0x90: {  	s2 =	sld [smem:$0x3FC9];
	(tm) =	ssettm $0x1  }
0x91: {  	s18 =	sld [smem:$0x3FFB];
	_ =	sdelay $0x3  }
0x92: {  	_ =	strace s18  }
0x93: {  	s3 =	sld [smem:$0x3FFC];
	_ =	sdelay $0x3  }
0x94: {  	_ =	strace s3  }
0x95: {  	s3 =	sld [smem:$0x3FFD];
	_ =	sdelay $0x3  }
0x96: {  	_ =	strace s3  }
0x97: {  	_ =	strace $0x8FFFFFFF  }
0x98: {  	s19 =	sld [smem:$0x3FDB];
	_ =	sdelay $0x1  }
0x99: {  	s4 =	simm.s32 $_scs_section_size  }
0x9a: {  	s5 =	simm.s32 $_size__tile_overlayer_lowered;
	s6 =	simm.s32 $_tile_overlayer_lowered  }
0x9b: {  	s22 =	simm.s32 $0x1BFF;
	s21 =	sshll.u32 s6, $0x1;
	s3 =	sadd.s32 s4, s19  }
0x9c: {  	s7 =	simm.s32 $0x0;
	s20 =	sshll.u32 s5, $0x1;
	s5 =	sadd.s32 s21, s3  }
0x9d: {  	[timem:s7], [sflag:s22] =	dma.local [hbm:s5], s20  }
0x9e: {  	_ =	swait.ge [sflag:s22], s20  }
0x9f: {  	s4 =	ssub.s32 $0x0, s20;
	[sflag:s22] =	ssyncset.done $0x0  }
0xa0: {  	[sflag:s22] =	ssyncadd.s32 s4;
	_ =	sdelay $0x1  }
0xa1: {  	s23 =	simm.s32 $0x1B8B  }
0xa2: {  	_ =	swait.ge [sflag:s23], $0x1  }
0xa3: {  	[sflag:s23] =	ssyncset.done $0x0  }
0xa4: {  	s25 =	simm.s32 $0x1B8E;
	s24 =	sld [smem:$0x3FFE];
	[sflag:s23] =	ssyncadd.s32 $0xFFFFFFFF  }
0xa5: {  	s26 =	simm.s32 $execute0_lowered;
	[smem:$0x3FD2] =	sst s25  }
0xa6: {  	s5 =	sshll.u32 s26, $0x1;
	_ =	strace $0x80000046;
	[dreg:$0x1] =	wrdreg $0xFFFFFFFF  }
0xa7: {  	s28 =	simm.s32 $_size_execute0_lowered;
	s3 =	sadd.s32 s3, s5;
	[dreg:$0x0] =	wrdreg $0x0  }
0xa8: {  	s5 =	sshll.u32 s28, $0x1;
	[dreg:$0x2] =	wrdreg s3  }
0xa9: {  	[dreg:$0x3] =	wrdreg s5  }
0xaa: {  	[dreg:$0x4] =	wrdreg $0xC0  }
0xab: {  	_ =	task [dreg:s7], $0x5FFFF  }
0xac: {  	[dreg:$0x1] =	wrdreg $0xFFFFFFFF  }
0xad: {  	[dreg:$0x0] =	wrdreg $0x60  }
0xae: {  	[dreg:$0x2] =	wrdreg s2  }
0xaf: {  	[dreg:$0x3] =	wrdreg s24  }
0xb0: {  	[dreg:$0x4] =	wrdreg $0x69000  }
0xb1: {  	[dreg:$0x5] =	wrdreg $0x9  }
0xb2: {  	_ =	task.clear_ibuf [dreg:s7], $0x6FFFF;
	_ =	strace $0x90000046  }
0xb3: {  	s29 =	simm.s32 $0x9;
	_ =	strace $0x80000048  }
0xb4: {  	_ =	swait.ge [sflag:s29], $0x1  }
0xb5: {  	[sflag:s29] =	ssyncadd.s32 $0xFFFFFFFF  }
0xb6: {  	_ =	strace $0x90000048  }
0xb7: {  	_ =	sfence  }
0xb8: {  	s30 =	sld [smem:$0x0];
	_ =	sdelay $0x2  }
0xb9: {  	s31 =	sshll.u32 s1, $0xD;
	s1 =	sshrl.u32 s1, $0x2  }
0xba: {  	s3 =	sand.u32 $0x4000, s31;
	s1 =	sadd.s32 s1, s30  }
0xbb: {  	s0 =	sor.u32 s3, s0;
	s1 =	sshll.u32 s1, $0x11  }
0xbc: {  	s0 =	sor.u32 s1, s0  }
0xbd: {  	s0 =	sadd.s32 $0x8F2B, s0  }
0xbe: {  	[sflag:s0] =	ssyncadd.remote.s32 $0x1  }
0xbf: {  	_ =	sfence.sel $0xFFFF  }
0xc0: {  	[dreg:$0x0] =	wrdreg $0xFFFFFFFF;
	(pc) =	sbr.abs _section_cstart, $3  }
0xc1: {  	[dreg:$0x1] =	wrdreg $0xFFFFFFFF  }
0xc2: {  	_ =	task.clear_ibuf [dreg:s7], $0x2FFFF;
	_ =	strace $0x9FFFFFFF  }
0xc3: {  	(tm) =	ssettm $0x7FFFFFFF  }
tec
execute0_lowered:
.L_overlay_start_1:
0x0: {  	(tag) =	ssettag $0x1  }
0x1: {  	s1 =	rddreg [dreg:$0x0]  }
0x2: {  	s2 =	srdreg.scid;
	s6 =	rddreg [dreg:$0x1]  }
0x3: {  	s0 =	stileid.u32;
	s3 =	rddreg [dreg:$0x2];
	s4 =	simm.s32 $0x0  }
0x4: {  	s15 =	simm.s32 $0x2900;
	s16 =	simm.s32 $0x2;
	s17 =	simm.s32 $0x80  }
0x5: {  	s18 =	simm.s32 $0x50;
	s19 =	simm.s32 $0x100;
	s5 =	smul.u32 $0x4E20, s0  }
0x6: {  	s20 =	simm.s32 $0x1;
	s23 =	simm.s32 $0x0;
	s9 =	smul.u32 $0x13C00, s0  }
0x7: {  	s7 =	sand.u32 $0x1, s2;
	s2 =	rddreg [dreg:$0x3];
	s10 =	smul.u32 $0x4E200, s0  }
0x8: {  	[smem:$0x7FF] =	sst s4;
	s21 =	sshll.u32 s0, $0x6;
	s8 =	smul.u32 $0x2710, s7  }
0x9: {  	s30 =	smul.u32 $0x13C000, s7;
	_ =	strace $0x80000047;
	s7 =	ssub.s32 $0x2, s7  }
0xa: {  	s21 =	sor.u32 $0x1C02, s21;
	s31 =	sshrl.u32 s7, $0x1;
	s5 =	sadd.s32 s8, s5  }
0xb: {  	s10 =	sshrl.u32 s10, $0x2;
	s8 =	sadd.s32 s9, s30;
	s5 =	sshrl.u32 s5, $0x3  }
0xc: {  	s12 =	ssub.s32 s7, s31;
	s8 =	sshrl.u32 s8, $0x3;
	s14 =	sadd.s32 s5, s6  }
0xd: {  	s5 =	sadd.s32 $0x17A00, s6;
	s11 =	sadd.s32 s8, s6;
	s6 =	sadd.s32 s10, s3  }
0xe: {  	s12 =	smax.u32 s12, $0x1;
	s7 =	sadd.s32 $0x3E80, s6;
	s8 =	sadd.s32 $0x7D00, s6  }
0xf: {  	s9 =	sadd.s32 $0xBB80, s6;
	s10 =	sadd.s32 $0xFA00, s6;
	s11 =	sadd.s32 $0x18200, s11  }
0x10: {  	s13 =	sadd.s32 $0x3E00, s14;
	s14 =	sadd.s32 $0xDC00, s14;
	s22 =	sshrl.u32 s6, $0x3  }
.LBB2_1:
0x11: {  	[tilespmem:s15], [sflag:$0x2] =	stream.linear.gather [hbm4b:s5+s4], $0x3E80, $0x38;
	[tilespmem:$0x1A180] =	vst v63  }
0x12: {  	_ =	swait.ge [sflag:s16], $0x3E80  }
0x13: {  	[sflag:s16] =	ssyncset.done $0x0  }
0x14: {  	[sflag:s16] =	ssyncadd.s32 $0xFFFFC180  }
0x15: {  	[spmem:s6] =	stream.linear.scatter [tilespmem:s15], [sflag:$0x2], $0x3E80, $0x38;
	[tilespmem:$0x1A180] =	vst v63  }
0x16: {  	_ =	swait.ge [sflag:s16], $0x3E80  }
0x17: {  	[sflag:s16] =	ssyncset.done $0x0  }
0x18: {  	[sflag:s16] =	ssyncadd.s32 $0xFFFFC180  }
0x19: {  	[spmem:s7] =	stream.linear.scatter [tilespmem:s15], [sflag:$0x2], $0x3E80, $0x38;
	[tilespmem:$0x1A180] =	vst v63  }
0x1a: {  	_ =	swait.ge [sflag:s16], $0x3E80  }
0x1b: {  	[sflag:s16] =	ssyncset.done $0x0  }
0x1c: {  	[sflag:s16] =	ssyncadd.s32 $0xFFFFC180  }
0x1d: {  	[spmem:s8] =	stream.linear.scatter [tilespmem:s15], [sflag:$0x2], $0x3E80, $0x38;
	[tilespmem:$0x1A180] =	vst v63  }
0x1e: {  	_ =	swait.ge [sflag:s16], $0x3E80  }
0x1f: {  	[sflag:s16] =	ssyncset.done $0x0  }
0x20: {  	[sflag:s16] =	ssyncadd.s32 $0xFFFFC180  }
0x21: {  	[spmem:s9] =	stream.linear.scatter [tilespmem:s15], [sflag:$0x2], $0x3E80, $0x38;
	[tilespmem:$0x1A180] =	vst v63  }
0x22: {  	_ =	swait.ge [sflag:s16], $0x3E80  }
0x23: {  	[sflag:s16] =	ssyncset.done $0x0  }
0x24: {  	[sflag:s16] =	ssyncadd.s32 $0xFFFFC180  }
0x25: {  	[spmem:s10] =	stream.linear.scatter [tilespmem:s15], [sflag:$0x2], $0x3E80, $0x38;
	[tilespmem:$0x1A180] =	vst v63  }
0x26: {  	_ =	swait.ge [sflag:s16], $0x3E80  }
0x27: {  	[sflag:s16] =	ssyncset.done $0x0  }
0x28: {  	[sflag:s16] =	ssyncadd.s32 $0xFFFFC180  }
0x29: {  	s24 =	sadd.s32 $0x0, s14;
	[bflag:$0x0] =	sbarrier.arrive $0xFFFF  }
0x2a: {  	[tilespmem:s4], [sflag:$0x2] =	stream.linear.gather [hbm4b:s24+s4], $0x50, $0x38;
	[tilespmem:$0x1A180] =	vst v63  }
0x2b: {  	_ =	swait.ge [sflag:s16], $0x50  }
0x2c: {  	[sflag:s16] =	ssyncset.done $0x0  }
0x2d: {  	s31 =	sadd.s32 $0x0, s13;
	[sflag:s16] =	ssyncadd.s32 $0xFFFFFFB0  }
0x2e: {  	[tilespmem:s17], [sflag:$0x2] =	stream.linear.gather [hbm4b:s31+s4], $0x50, $0x38;
	[tilespmem:$0x1A180] =	vst v63  }
0x2f: {  	_ =	swait.ge [sflag:s16], $0x50  }
0x30: {  	[sflag:s16] =	ssyncset.done $0x0  }
0x31: {  	[sflag:s16] =	ssyncadd.s32 $0xFFFFFFB0  }
0x32: {  	[tilespmem:s19], [sflag:$0x1] =	stream.indirect.gather [hbm4b:s1+s18], $0x80, s4, s18, $0xb8;
	[tilespmem:$0x1A180] =	vst v63  }
0x33: {  	_ =	swait.ge [sflag:s20], $0x2800  }
0x34: {  	[sflag:s20] =	ssyncset.done $0x0  }
0x35: {  	[sflag:s20] =	ssyncadd.s32 $0xFFFFD800  }
0x36: {  	[spmem:s3] =	stream.indirect.scatter.add.f32 [tilespmem:s19], [sflag:$0x2], $0x80, s17, s18, $0xb8;
	[tilespmem:$0x1A180] =	vst v63  }
0x37: {  	_ =	swait.ge [sflag:s16], $0x2800  }
0x38: {  	s25 =	simm.s32 $0x14;
	s24 =	simm.s32 $0xA;
	[sflag:s16] =	ssyncset.done $0x0  }
.LBB2_2:
0x39: {  	s26 =	sadd.s32 s24, s14  }
0x3a: {  	[sflag:s16] =	ssyncadd.s32 $0xFFFFD800;
	s28 =	smov.u32 s25;
	s29 =	sadd.s32 $0xA, s25  }
0x3b: {  	[tilespmem:s4], [sflag:$0x2] =	stream.linear.gather [hbm4b:s26+s4], $0x50, $0x38;
	[tilespmem:$0x1A180] =	vst v63  }
0x3c: {  	p0 =	sne.s32 s25, $0x4D8;
	_ =	swait.ge [sflag:s16], $0x50  }
0x3d: {  	[sflag:s16] =	ssyncset.done $0x0  }
0x3e: {  	s25 =	sadd.s32 s24, s13;
	s24 =	smov.u32 s28;
	[sflag:s16] =	ssyncadd.s32 $0xFFFFFFB0  }
0x3f: {  	[tilespmem:s17], [sflag:$0x2] =	stream.linear.gather [hbm4b:s25+s4], $0x50, $0x38;
	[tilespmem:$0x1A180] =	vst v63  }
0x40: {  	_ =	swait.ge [sflag:s16], $0x50  }
0x41: {  	[sflag:s16] =	ssyncset.done $0x0  }
0x42: {  	[sflag:s16] =	ssyncadd.s32 $0xFFFFFFB0  }
0x43: {  	[tilespmem:s19], [sflag:$0x1] =	stream.indirect.gather [hbm4b:s1+s18], $0x80, s4, s18, $0xb8;
	[tilespmem:$0x1A180] =	vst v63  }
0x44: {  	_ =	swait.ge [sflag:s20], $0x2800  }
.Ltmp0:
0x45: {  	[sflag:s20] =	ssyncset.done $0x0;
	(pc) =	sbr.rel @p0 .LBB2_2-.Ltmp0, $4  }
0x46: {  	[sflag:s20] =	ssyncadd.s32 $0xFFFFD800  }
0x47: {  	[spmem:s3] =	stream.indirect.scatter.add.f32 [tilespmem:s19], [sflag:$0x2], $0x80, s17, s18, $0xb8;
	[tilespmem:$0x1A180] =	vst v63  }
0x48: {  	_ =	swait.ge [sflag:s16], $0x2800  }
0x49: {  	s25 =	smov.u32 s29;
	[sflag:s16] =	ssyncset.done $0x0  }
0x4a: {  	s25 =	sadd.s32 s24, s14;
	[sflag:s16] =	ssyncadd.s32 $0xFFFFD800  }
0x4b: {  	[tilespmem:s4], [sflag:$0x2] =	stream.linear.gather [hbm4b:s25+s4], $0x50, $0x38;
	[tilespmem:$0x1A180] =	vst v63  }
0x4c: {  	_ =	swait.ge [sflag:s16], $0x50  }
0x4d: {  	[sflag:s16] =	ssyncset.done $0x0  }
0x4e: {  	s31 =	sadd.s32 s24, s13;
	[sflag:s16] =	ssyncadd.s32 $0xFFFFFFB0  }
0x4f: {  	[tilespmem:s17], [sflag:$0x2] =	stream.linear.gather [hbm4b:s31+s4], $0x50, $0x38;
	[tilespmem:$0x1A180] =	vst v63  }
0x50: {  	_ =	swait.ge [sflag:s16], $0x50  }
0x51: {  	[sflag:s16] =	ssyncset.done $0x0  }
0x52: {  	[sflag:s16] =	ssyncadd.s32 $0xFFFFFFB0  }
0x53: {  	[tilespmem:s19], [sflag:$0x1] =	stream.indirect.gather [hbm4b:s1+s18], $0x80, s4, s18, $0xb8;
	[tilespmem:$0x1A180] =	vst v63  }
0x54: {  	_ =	swait.ge [sflag:s20], $0x2800  }
0x55: {  	[sflag:s20] =	ssyncset.done $0x0  }
0x56: {  	[sflag:s20] =	ssyncadd.s32 $0xFFFFD800  }
0x57: {  	[spmem:s3] =	stream.indirect.scatter.add.f32 [tilespmem:s19], [sflag:$0x2], $0x80, s17, s18, $0xb8;
	[tilespmem:$0x1A180] =	vst v63  }
0x58: {  	_ =	swait.ge [sflag:s16], $0x2800  }
0x59: {  	s23 =	sadd.s32 $0x1, s23;
	[sflag:s16] =	ssyncset.done $0x0  }
0x5a: {  	p0 =	sne.s32 s23, s12;
	[sflag:s16] =	ssyncadd.s32 $0xFFFFD800  }
.Ltmp1:
0x5b: {  	[bflag:$0x0] =	sbarrier.arrive $0xFFFF;
	(pc) =	sbr.rel @p0 .LBB2_1-.Ltmp1, $4  }
0x5c: {  	[hbm:s11], [sflag:s21] =	dma.local [spmem:s22], $0x2710  }
0x5d: {  	_ =	swait.ge [sflag:s16], $0x2710  }
0x5e: {  	[sflag:s16] =	ssyncset.done $0x0  }
0x5f: {  	[sflag:s16] =	ssyncadd.s32 $0xFFFFD8F0  }
0x60: {  	_ =	sfence.sel $0x180000  }
0x61: {  	[bflag:$0x0] =	sbarrier.arrive $0xFFFF  }
0x62: {  	p0 =	sne.s32 s0, $0x0;
	_ =	strace $0x90000047  }
0x63: {  	s0 =	sadd.s32 @!p0 $0x100000, s2;
	[bflag:$0x2] =	sbarrier.arrive $0xFFFF  }
0x64: {  	[sflag:s0] =	ssyncadd.tile.s32 @!p0 $0x1;
	_ =	shalt  }
.Lfunc_end2:
_tile_overlayer_lowered:
.L_overlay_start_2:
0x65: {  	(tag) =	ssettag $0x2  }
0x66: {  	s0 =	rddreg [dreg:$0x0];
	s2 =	stileid.u32  }
0x67: {  	s1 =	rddreg [dreg:$0x1];
	p0 =	sne.s32 s2, $0x0  }
0x68: {  	s3 =	rddreg [dreg:$0x2];
	[bflag:$0x3] =	sbarrier.arrive $0xFFFF;
	s2 =	simm.s32 @!p0 $0x1C02  }
0x69: {  	[timem:s3], [sflag:s2] =	dma.local @!p0 [hbm:s0], s1  }
0x6a: {  	s0 =	simm.s32 @!p0 $0x2  }
0x6b: {  	_ =	swait.ge @!p0 [sflag:s0], s1  }
0x6c: {  	s1 =	ssub.s32 @!p0 $0x0, s1;
	[sflag:s0] =	ssyncset.done @!p0 $0x0  }
0x6d: {  	[sflag:s0] =	ssyncadd.s32 @!p0 s1  }
0x6e: {  	[bflag:$0x3] =	sbarrier.arrive $0xFFFF  }
0x6f: {  	_ =	shalt  }

</sc_bundles>
